<compile_context>
chip_gen: v7x
topology: tpu7x:2x2x1
jax: 0.10.2.dev20260603
libtpu: 0.0.44.dev20260713+nightly
codegen_flags: <defaults>
</compile_context>

<pallas_src>
import functools
import jax
import jax.numpy as jnp
from jax import lax
from jax.experimental import pallas as pl
from jax.experimental.pallas import tpu as pltpu
from jax.experimental.pallas import tpu_sc as plsc

S, H, I, E = 2048, 1024, 1024, 64
T = 64
NT = S // T + E
NP = NT * T
NW = 32
RPW = NP // NW
CH = 48
CHU = 32

_mesh = plsc.VectorSubcoreMesh(core_axis_name="c", subcore_axis_name="s")


def _router_body(x_ref, gw_ref, eid_ref):
    x = x_ref[...]
    logits = jax.lax.dot_general(x, gw_ref[...], (((1,), (1,)), ((), ())),
                                 preferred_element_type=jnp.float32)
    scores = jax.nn.sigmoid(logits)
    m = jnp.max(scores, axis=1, keepdims=True)
    cols = jax.lax.broadcasted_iota(jnp.int32, scores.shape, 1)
    eid_ref[...] = jnp.min(jnp.where(scores == m, cols, E), axis=1, keepdims=True)


def _router(x, gate_w):
    return pl.pallas_call(
        _router_body,
        grid=(S // 256,),
        in_specs=[
            pl.BlockSpec((256, H), lambda i: (i, 0)),
            pl.BlockSpec((E, H), lambda i: (0, 0)),
        ],
        out_specs=pl.BlockSpec((256, 1), lambda i: (i, 0)),
        out_shape=jax.ShapeDtypeStruct((S, 1), jnp.int32),
    )(x, gate_w)


@functools.partial(
    pl.kernel,
    mesh=_mesh,
    compiler_params=pltpu.CompilerParams(needs_layout_passes=False),
    out_type=[
        jax.ShapeDtypeStruct((NP, H), jnp.float32),
        jax.ShapeDtypeStruct((NT,), jnp.int32),
        jax.ShapeDtypeStruct((NT,), jnp.int32),
        jax.ShapeDtypeStruct((S,), jnp.int32),
    ],
    scratch_types=[
        pltpu.VMEM((S,), jnp.int32),
        pltpu.VMEM((E,), jnp.int32),
        pltpu.VMEM((E,), jnp.int32),
        pltpu.VMEM((E,), jnp.int32),
        pltpu.VMEM((NT,), jnp.int32),
        pltpu.VMEM((NT,), jnp.int32),
        pltpu.VMEM((NT,), jnp.int32),
        pltpu.VMEM((S,), jnp.int32),
        pltpu.VMEM((NP,), jnp.int32),
        pltpu.VMEM((16,), jnp.int32),
        pltpu.VMEM((RPW,), jnp.int32),
        pltpu.VMEM((CH, H), jnp.float32),
        pltpu.VMEM((CH, H), jnp.float32),
        pltpu.VMEM_SHARED((NP,), jnp.int32),
        pltpu.VMEM_SHARED((16,), jnp.int32),
        pltpu.SemaphoreType.DMA,
        pltpu.SemaphoreType.DMA,
        pltpu.SemaphoreType.DMA,
        pltpu.SemaphoreType.DMA,
    ],
)
def _dispatch(eid_hbm, x_hbm, xs_hbm, te_hbm, tv_hbm, pos_hbm,
              eid_v, cnt_v, off_v, srow_v, mark_v, te_v, tv_v, pos_v, perm_v,
              meta_v, idx_v, rows_a, rows_b, sp_perm, sp_meta,
              gs_a, gs_b, ws_a, ws_b):
    c = lax.axis_index("c")
    s = lax.axis_index("s")

    @pl.when(s == 0)
    def _():
        pltpu.sync_copy(eid_hbm, eid_v)
        z16 = jnp.zeros((16,), jnp.int32)
        iota16 = lax.iota(jnp.int32, 16)
        for i in range(E // 16):
            cnt_v[pl.ds(i * 16, 16)] = z16
            off_v[pl.ds(i * 16, 16)] = z16
        for i in range(NT // 16):
            mark_v[pl.ds(i * 16, 16)] = z16

        def _init_perm(i, carry):
            perm_v[pl.ds(i * 16, 16)] = (iota16 + i * 16) & (S - 1)
            return carry
        lax.fori_loop(0, NP // 16, _init_perm, 0)

        def _hist(i, carry):
            e = eid_v[pl.ds(i * 16, 16)]
            prior = plsc.load_gather(cnt_v, [e])
            cnt, last = plsc.scan_count(e)
            plsc.store_scatter(cnt_v, [e], prior + cnt, mask=last)
            return carry
        lax.fori_loop(0, S // 16, _hist, 0)

        tile_carry = jnp.int32(0)
        for i in range(E // 16):
            n = cnt_v[pl.ds(i * 16, 16)]
            t = (n + (T - 1)) // T
            bounds = plsc.cumsum(t) + tile_carry
            starts = bounds - t
            srow_v[pl.ds(i * 16, 16)] = starts * T
            plsc.store_scatter(mark_v, [starts], iota16 + (16 * i + 1),
                               mask=t > 0)
            tile_carry = bounds[15]
        active = tile_carry

        m_carry = jnp.int32(0)
        for j in range(NT // 16):
            m = mark_v[pl.ds(j * 16, 16)]
            cm = jnp.maximum(plsc.cummax(m), m_carry)
            te_v[pl.ds(j * 16, 16)] = cm - 1
            tv_v[pl.ds(j * 16, 16)] = (iota16 + 16 * j < active).astype(jnp.int32)
            m_carry = cm[15]

        def _place(i, carry):
            e = eid_v[pl.ds(i * 16, 16)]
            prior = plsc.load_gather(off_v, [e])
            cnt, last = plsc.scan_count(e)
            plsc.store_scatter(off_v, [e], prior + cnt, mask=last)
            srow_e = plsc.load_gather(srow_v, [e])
            p = srow_e + prior + cnt - 1
            pos_v[pl.ds(i * 16, 16)] = p
            plsc.store_scatter(perm_v, [p], iota16 + i * 16)
            return carry
        lax.fori_loop(0, S // 16, _place, 0)

        meta_v[...] = jnp.where(iota16 == 0, active * T, 0)
        pltpu.sync_copy(perm_v, sp_perm)
        pltpu.sync_copy(meta_v, sp_meta)

        @pl.when(c == 0)
        def __():
            pltpu.sync_copy(te_v, te_hbm)
            pltpu.sync_copy(tv_v, tv_hbm)
            pltpu.sync_copy(pos_v, pos_hbm)

    plsc.subcore_barrier()

    wid = s * 2 + c
    pltpu.sync_copy(sp_meta, meta_v)
    nrows = meta_v[...][0]
    base = wid * RPW
    pltpu.sync_copy(sp_perm.at[pl.ds(base, RPW)], idx_v)
    rows = (rows_a, rows_b)
    gs = (gs_a, gs_b)
    ws = (ws_a, ws_b)
    nch = RPW // CH

    def _gather(k):
        return pltpu.make_async_copy(x_hbm.at[idx_v.at[pl.ds(k * CH, CH)]],
                                     rows[k % 2], gs[k % 2])

    def _write(k):
        return pltpu.make_async_copy(
            rows[k % 2], xs_hbm.at[pl.ds(base + k * CH, CH)], ws[k % 2])

    def _cond(k):
        return base + k * CH < nrows

    @pl.when(_cond(0))
    def _():
        _gather(0).start()

    for k in range(nch):
        cond = _cond(k)
        if k >= 1:
            @pl.when(cond)
            def _(k=k):
                _write(k - 1).wait()

        @pl.when(cond)
        def _(k=k):
            _gather(k).wait()

        if k + 1 < nch:
            @pl.when(_cond(k + 1))
            def _(k=k):
                _gather(k + 1).start()

        @pl.when(cond)
        def _(k=k):
            _write(k).start()

    for k in range(nch):
        nxt = _cond(k + 1) if k + 1 < nch else jnp.bool_(False)

        @pl.when(jnp.logical_and(_cond(k), jnp.logical_not(nxt)))
        def _(k=k):
            _write(k).wait()


def _experts_body(te_ref, tv_ref, xs_ref, wg_ref, wu_ref, wd_ref, out_ref):
    i = pl.program_id(0)

    @pl.when(tv_ref[i] != 0)
    def _():
        x = xs_ref[...]
        g = jax.lax.dot_general(x, wg_ref[0], (((1,), (1,)), ((), ())),
                                preferred_element_type=jnp.float32)
        u = jax.lax.dot_general(x, wu_ref[0], (((1,), (1,)), ((), ())),
                                preferred_element_type=jnp.float32)
        h = g * jax.nn.sigmoid(g) * u
        out_ref[...] = jax.lax.dot_general(h, wd_ref[0], (((1,), (1,)), ((), ())),
                                           preferred_element_type=jnp.float32)


def _experts(xs, expert_gate, expert_up, expert_down, te, tv):
    def _xmap(i, te, tv):
        return (jnp.where(tv[i] != 0, i, NT - 1), 0)

    grid_spec = pltpu.PrefetchScalarGridSpec(
        num_scalar_prefetch=2,
        grid=(NT,),
        in_specs=[
            pl.BlockSpec((T, H), _xmap),
            pl.BlockSpec((1, I, H), lambda i, te, tv: (te[i], 0, 0)),
            pl.BlockSpec((1, I, H), lambda i, te, tv: (te[i], 0, 0)),
            pl.BlockSpec((1, H, I), lambda i, te, tv: (te[i], 0, 0)),
        ],
        out_specs=pl.BlockSpec((T, H), _xmap),
    )
    return pl.pallas_call(
        _experts_body,
        grid_spec=grid_spec,
        out_shape=jax.ShapeDtypeStruct((NP, H), jnp.float32),
    )(te, tv, xs, expert_gate, expert_up, expert_down)


@functools.partial(
    pl.kernel,
    mesh=_mesh,
    compiler_params=pltpu.CompilerParams(needs_layout_passes=False),
    out_type=jax.ShapeDtypeStruct((S, H), jnp.float32),
    scratch_types=[
        pltpu.VMEM((S // NW,), jnp.int32),
        pltpu.VMEM((CHU, H), jnp.float32),
        pltpu.VMEM((CHU, H), jnp.float32),
        pltpu.SemaphoreType.DMA,
        pltpu.SemaphoreType.DMA,
        pltpu.SemaphoreType.DMA,
        pltpu.SemaphoreType.DMA,
    ],
)
def _unsort(ys_hbm, pos_hbm, routed_hbm, idx_v, rows_a, rows_b,
            gs_a, gs_b, ws_a, ws_b):
    CH = CHU
    c = lax.axis_index("c")
    s = lax.axis_index("s")
    wid = s * 2 + c
    tpw = S // NW
    base = wid * tpw
    pltpu.sync_copy(pos_hbm.at[pl.ds(base, tpw)], idx_v)
    rows = (rows_a, rows_b)
    gs = (gs_a, gs_b)
    ws = (ws_a, ws_b)
    nch = tpw // CH

    def _gather(k):
        return pltpu.make_async_copy(ys_hbm.at[idx_v.at[pl.ds(k * CH, CH)]],
                                     rows[k % 2], gs[k % 2])

    def _write(k):
        return pltpu.make_async_copy(
            rows[k % 2], routed_hbm.at[pl.ds(base + k * CH, CH)], ws[k % 2])

    _gather(0).start()
    for k in range(nch):
        if k >= 1:
            _write(k - 1).wait()
        _gather(k).wait()
        if k + 1 < nch:
            _gather(k + 1).start()
        _write(k).start()
    _write(nch - 1).wait()


def _shared_body(x_ref, routed_ref, sg_ref, su_ref, sd_ref, out_ref):
    x = x_ref[...]
    g = jax.lax.dot_general(x, sg_ref[...], (((1,), (1,)), ((), ())),
                            preferred_element_type=jnp.float32)
    u = jax.lax.dot_general(x, su_ref[...], (((1,), (1,)), ((), ())),
                            preferred_element_type=jnp.float32)
    h = g * jax.nn.sigmoid(g) * u
    out_ref[...] = routed_ref[...] + jax.lax.dot_general(
        h, sd_ref[...], (((1,), (1,)), ((), ())), preferred_element_type=jnp.float32)


def _shared_add(x, routed, sg, su, sd):
    return pl.pallas_call(
        _shared_body,
        grid=(S // 256,),
        in_specs=[
            pl.BlockSpec((256, H), lambda i: (i, 0)),
            pl.BlockSpec((256, H), lambda i: (i, 0)),
            pl.BlockSpec((I, H), lambda i: (0, 0)),
            pl.BlockSpec((I, H), lambda i: (0, 0)),
            pl.BlockSpec((H, I), lambda i: (0, 0)),
        ],
        out_specs=pl.BlockSpec((256, H), lambda i: (i, 0)),
        out_shape=jax.ShapeDtypeStruct((S, H), jnp.float32),
    )(x, routed, sg, su, sd)


def kernel(hidden_states, gate_w, shared_gate, shared_up, shared_down,
           expert_gate, expert_up, expert_down):
    b, s, h = hidden_states.shape
    x2 = hidden_states.reshape(-1, h)

    eid = _router(x2, gate_w).reshape(S)
    xs, te, tv, pos = _dispatch(eid, x2)
    ys = _experts(xs, expert_gate, expert_up, expert_down, te, tv)
    routed = _unsort(ys, pos)
    out = _shared_add(x2, routed, shared_gate, shared_up, shared_down)
    return out.reshape(b, s, h)

# --- scband reference (transcript-rebuilt; emitter-appended) ---
"""Pipeline reference for scband-mixture-of-experts-26534307955388 (READ-ONLY COPY).

The authoritative reference and input builder live on the scoring server;
editing this copy changes nothing except your own understanding.
"""

import jax, jax.numpy as jnp
import numpy as np

B, S, H, I, E, K = 1, 2048, 1024, 1024, 64, 1


def _swiglu(x, wg, wu, wd):
    # wg, wu: [I, H]; wd: [H, I]  (torch nn.Linear weight layout)
    return (jax.nn.silu(x @ wg.T) * (x @ wu.T)) @ wd.T


def setup_inputs(seed: int = 0) -> dict:
    key = jax.random.key(seed)
    ks = jax.random.split(key, 8)
    hidden_states = jax.random.normal(ks[0], (B, S, H), dtype=jnp.float32)
    gate_w = jax.random.normal(ks[1], (E, H), dtype=jnp.float32) * 0.02
    shared_gate = jax.random.normal(ks[2], (I, H), dtype=jnp.float32) * 0.02
    shared_up = jax.random.normal(ks[3], (I, H), dtype=jnp.float32) * 0.02
    shared_down = jax.random.normal(ks[4], (H, I), dtype=jnp.float32) * 0.02
    expert_gate = jax.random.normal(ks[5], (E, I, H), dtype=jnp.float32) * 0.02
    expert_up = jax.random.normal(ks[6], (E, I, H), dtype=jnp.float32) * 0.02
    expert_down = jax.random.normal(ks[7], (E, H, I), dtype=jnp.float32) * 0.02
    return {
        "hidden_states": hidden_states,
        "gate_w": gate_w,
        "shared_gate": shared_gate,
        "shared_up": shared_up,
        "shared_down": shared_down,
        "expert_gate": expert_gate,
        "expert_up": expert_up,
        "expert_down": expert_down,
    }


def reference(hidden_states, gate_w, shared_gate, shared_up, shared_down,
              expert_gate, expert_up, expert_down):
    b, s, h = hidden_states.shape
    x2 = hidden_states.reshape(-1, h)
    # router
    scores = jax.nn.sigmoid(x2 @ gate_w.T)
    topk_weight, topk_ids = jax.lax.top_k(scores, K)
    topk_weight = topk_weight / topk_weight.sum(-1, keepdims=True)
    # sort assignments by expert id
    flat_ids = topk_ids.reshape(-1)
    indices_sorted = jnp.argsort(flat_ids)
    token_ids_sorted = indices_sorted // K
    tokens_sorted = x2[token_ids_sorted]
    flat_ids_sorted = flat_ids[indices_sorted]
    num_experts = expert_gate.shape[0]

    def _expert_step(acc, xs):
        e, wg, wu, wd = xs
        val = _swiglu(tokens_sorted, wg, wu, wd)
        mask = (flat_ids_sorted == e)[:, None]
        return acc + jnp.where(mask, val, 0.0), None

    acc0 = jnp.zeros_like(tokens_sorted)
    outs_sorted_by_expert, _ = jax.lax.scan(
        _expert_step, acc0,
        (jnp.arange(num_experts, dtype=flat_ids_sorted.dtype),
         expert_gate, expert_up, expert_down))
    # unsort back to (token, k) order
    outs_sorted_by_token = jnp.zeros_like(outs_sorted_by_expert).at[indices_sorted].set(outs_sorted_by_expert)
    routed = (outs_sorted_by_token.reshape(x2.shape[0], K, h) * topk_weight[..., None]).sum(1).reshape(b, s, h)
    shared = _swiglu(x2, shared_gate, shared_up, shared_down).reshape(b, s, h)
    return shared + routed

if __name__ == "__main__":
    import jax
    _d = setup_inputs()
    print(jax.jit(kernel)(*tuple(_d.values())))

</pallas_src>

<mosaic_0001>
#map = affine_map<(d0, d1) -> (0, 0)>
#map1 = affine_map<(d0, d1) -> (0)>
module attributes {stable_mosaic.version = 14 : i64} {
  func.func @_unsort(%arg0: i32, %arg1: i32, %arg2: memref<6144x1024xf32, #tpu.memory_space<hbm>>, %arg3: memref<2048xi32, #tpu.memory_space<hbm>>, %arg4: memref<2048x1024xf32, #tpu.memory_space<hbm>>, %arg5: memref<64xi32, #tpu.memory_space<vmem>>, %arg6: memref<32x1024xf32, #tpu.memory_space<vmem>>, %arg7: memref<32x1024xf32, #tpu.memory_space<vmem>>, %arg8: memref<!tpu.dma_semaphore, #tpu.memory_space<semaphore_mem>>, %arg9: memref<!tpu.dma_semaphore, #tpu.memory_space<semaphore_mem>>, %arg10: memref<!tpu.dma_semaphore, #tpu.memory_space<semaphore_mem>>, %arg11: memref<!tpu.dma_semaphore, #tpu.memory_space<semaphore_mem>>) attributes {dimension_semantics = [#tpu.dimension_semantics<core_parallel>, #tpu.dimension_semantics<subcore_parallel>], iteration_bounds = array<i64: 2, 16>, scalar_prefetch = 0 : i64, scratch_operands = 7 : i64, tpu.core_type = #tpu.core_type<sc_vector_subcore>, window_params = [{transform_indices = #map}, {transform_indices = #map1}, {transform_indices = #map}]} {
    %mul3A = arith.constant 2 : i32
    %mul3A_0 = arith.muli %arg1, %mul3A : i32
    %add3A = arith.addi %mul3A_0, %arg0 : i32
    %mul3A_1 = arith.constant 64 : i32
    %mul3A_2 = arith.muli %add3A, %mul3A_1 : i32
    "tpu.region"() ({
      %run_scoped3A = tpu.sem_alloc : memref<!tpu.dma_semaphore, #tpu.memory_space<semaphore_mem>>
      %dma_start3A_45 = tpu.memref_slice %arg3[%mul3A_2] : memref<2048xi32, #tpu.memory_space<hbm>> -> memref<64xi32, #tpu.memory_space<hbm>>
      %dma_start3A_46 = tpu.memref_slice %arg3[%mul3A_2] : memref<2048xi32, #tpu.memory_space<hbm>> -> memref<64xi32, #tpu.memory_space<hbm>>
      tpu.enqueue_dma source(%dma_start3A_46 : memref<64xi32, #tpu.memory_space<hbm>>) target(%arg5 : memref<64xi32, #tpu.memory_space<vmem>>) target_semaphore(%run_scoped3A : memref<!tpu.dma_semaphore, #tpu.memory_space<semaphore_mem>>)
      %dma_wait3A_47 = tpu.memref_slice %arg3[%mul3A_2] : memref<2048xi32, #tpu.memory_space<hbm>> -> memref<64xi32, #tpu.memory_space<hbm>>
      %dma_wait3A_48 = tpu.memref_slice %arg3[%mul3A_2] : memref<2048xi32, #tpu.memory_space<hbm>> -> memref<64xi32, #tpu.memory_space<hbm>>
      tpu.wait_dma2 semaphore(%run_scoped3A : memref<!tpu.dma_semaphore, #tpu.memory_space<semaphore_mem>>) src(%dma_wait3A_48 : memref<64xi32, #tpu.memory_space<hbm>>) dst(%arg5 : memref<64xi32, #tpu.memory_space<vmem>>)
      tpu.yield
    }) : () -> ()
    %dma_start3A = arith.constant 0 : i32
    %dma_start3A_3 = tpu.memref_slice %arg5[%dma_start3A] : memref<64xi32, #tpu.memory_space<vmem>> -> memref<32xi32, #tpu.memory_space<vmem>>
    %dma_start3A_4 = arith.constant 0 : i32
    %dma_start3A_5 = arith.constant 0 : i32
    %dma_start3A_6 = tpu.memref_slice %arg2[%dma_start3A_4, %dma_start3A_5] : memref<6144x1024xf32, #tpu.memory_space<hbm>> -> memref<6144x1024xf32, #tpu.memory_space<hbm>>
    tpu.enqueue_indirect_dma source(%dma_start3A_6 : memref<6144x1024xf32, #tpu.memory_space<hbm>>) target(%arg6 : memref<32x1024xf32, #tpu.memory_space<vmem>>) offsets(%dma_start3A_3 : memref<32xi32, #tpu.memory_space<vmem>>) semaphore(%arg8 : memref<!tpu.dma_semaphore, #tpu.memory_space<semaphore_mem>>)
    %dma_wait3A = arith.constant 0 : i32
    %dma_wait3A_7 = tpu.memref_slice %arg5[%dma_wait3A] : memref<64xi32, #tpu.memory_space<vmem>> -> memref<32xi32, #tpu.memory_space<vmem>>
    %dma_wait3A_8 = arith.constant 0 : i32
    %dma_wait3A_9 = arith.constant 0 : i32
    %dma_wait3A_10 = tpu.memref_slice %arg2[%dma_wait3A_8, %dma_wait3A_9] : memref<6144x1024xf32, #tpu.memory_space<hbm>> -> memref<6144x1024xf32, #tpu.memory_space<hbm>>
    tpu.wait_indirect_dma semaphore(%arg8 : memref<!tpu.dma_semaphore, #tpu.memory_space<semaphore_mem>>) src(%dma_wait3A_10 : memref<6144x1024xf32, #tpu.memory_space<hbm>>) dst(%arg6 : memref<32x1024xf32, #tpu.memory_space<vmem>>)
    %dma_start3A_11 = arith.constant 32 : i32
    %dma_start3A_12 = tpu.memref_slice %arg5[%dma_start3A_11] : memref<64xi32, #tpu.memory_space<vmem>> -> memref<32xi32, #tpu.memory_space<vmem>>
    %dma_start3A_13 = arith.constant 0 : i32
    %dma_start3A_14 = arith.constant 0 : i32
    %dma_start3A_15 = tpu.memref_slice %arg2[%dma_start3A_13, %dma_start3A_14] : memref<6144x1024xf32, #tpu.memory_space<hbm>> -> memref<6144x1024xf32, #tpu.memory_space<hbm>>
    tpu.enqueue_indirect_dma source(%dma_start3A_15 : memref<6144x1024xf32, #tpu.memory_space<hbm>>) target(%arg7 : memref<32x1024xf32, #tpu.memory_space<vmem>>) offsets(%dma_start3A_12 : memref<32xi32, #tpu.memory_space<vmem>>) semaphore(%arg9 : memref<!tpu.dma_semaphore, #tpu.memory_space<semaphore_mem>>)
    %add3A_16 = arith.constant 0 : i32
    %add3A_17 = arith.addi %mul3A_2, %add3A_16 : i32
    %dma_start3A_18 = arith.constant 0 : i32
    %dma_start3A_19 = tpu.memref_slice %arg4[%add3A_17, %dma_start3A_18] : memref<2048x1024xf32, #tpu.memory_space<hbm>> -> memref<32x1024xf32, #tpu.memory_space<hbm>>
    %dma_start3A_20 = arith.constant 0 : i32
    %dma_start3A_21 = tpu.memref_slice %arg4[%add3A_17, %dma_start3A_20] : memref<2048x1024xf32, #tpu.memory_space<hbm>> -> memref<32x1024xf32, #tpu.memory_space<hbm>>
    tpu.enqueue_dma source(%arg6 : memref<32x1024xf32, #tpu.memory_space<vmem>>) target(%dma_start3A_21 : memref<32x1024xf32, #tpu.memory_space<hbm>>) target_semaphore(%arg10 : memref<!tpu.dma_semaphore, #tpu.memory_space<semaphore_mem>>)
    %add3A_22 = arith.constant 0 : i32
    %add3A_23 = arith.addi %mul3A_2, %add3A_22 : i32
    %dma_wait3A_24 = arith.constant 0 : i32
    %dma_wait3A_25 = tpu.memref_slice %arg4[%add3A_23, %dma_wait3A_24] : memref<2048x1024xf32, #tpu.memory_space<hbm>> -> memref<32x1024xf32, #tpu.memory_space<hbm>>
    %dma_wait3A_26 = arith.constant 0 : i32
    %dma_wait3A_27 = tpu.memref_slice %arg4[%add3A_23, %dma_wait3A_26] : memref<2048x1024xf32, #tpu.memory_space<hbm>> -> memref<32x1024xf32, #tpu.memory_space<hbm>>
    tpu.wait_dma2 semaphore(%arg10 : memref<!tpu.dma_semaphore, #tpu.memory_space<semaphore_mem>>) src(%arg6 : memref<32x1024xf32, #tpu.memory_space<vmem>>) dst(%dma_wait3A_27 : memref<32x1024xf32, #tpu.memory_space<hbm>>)
    %dma_wait3A_28 = arith.constant 32 : i32
    %dma_wait3A_29 = tpu.memref_slice %arg5[%dma_wait3A_28] : memref<64xi32, #tpu.memory_space<vmem>> -> memref<32xi32, #tpu.memory_space<vmem>>
    %dma_wait3A_30 = arith.constant 0 : i32
    %dma_wait3A_31 = arith.constant 0 : i32
    %dma_wait3A_32 = tpu.memref_slice %arg2[%dma_wait3A_30, %dma_wait3A_31] : memref<6144x1024xf32, #tpu.memory_space<hbm>> -> memref<6144x1024xf32, #tpu.memory_space<hbm>>
    tpu.wait_indirect_dma semaphore(%arg9 : memref<!tpu.dma_semaphore, #tpu.memory_space<semaphore_mem>>) src(%dma_wait3A_32 : memref<6144x1024xf32, #tpu.memory_space<hbm>>) dst(%arg7 : memref<32x1024xf32, #tpu.memory_space<vmem>>)
    %add3A_33 = arith.constant 32 : i32
    %add3A_34 = arith.addi %mul3A_2, %add3A_33 : i32
    %dma_start3A_35 = arith.constant 0 : i32
    %dma_start3A_36 = tpu.memref_slice %arg4[%add3A_34, %dma_start3A_35] : memref<2048x1024xf32, #tpu.memory_space<hbm>> -> memref<32x1024xf32, #tpu.memory_space<hbm>>
    %dma_start3A_37 = arith.constant 0 : i32
    %dma_start3A_38 = tpu.memref_slice %arg4[%add3A_34, %dma_start3A_37] : memref<2048x1024xf32, #tpu.memory_space<hbm>> -> memref<32x1024xf32, #tpu.memory_space<hbm>>
    tpu.enqueue_dma source(%arg7 : memref<32x1024xf32, #tpu.memory_space<vmem>>) target(%dma_start3A_38 : memref<32x1024xf32, #tpu.memory_space<hbm>>) target_semaphore(%arg11 : memref<!tpu.dma_semaphore, #tpu.memory_space<semaphore_mem>>)
    %add3A_39 = arith.constant 32 : i32
    %add3A_40 = arith.addi %mul3A_2, %add3A_39 : i32
    %dma_wait3A_41 = arith.constant 0 : i32
    %dma_wait3A_42 = tpu.memref_slice %arg4[%add3A_40, %dma_wait3A_41] : memref<2048x1024xf32, #tpu.memory_space<hbm>> -> memref<32x1024xf32, #tpu.memory_space<hbm>>
    %dma_wait3A_43 = arith.constant 0 : i32
    %dma_wait3A_44 = tpu.memref_slice %arg4[%add3A_40, %dma_wait3A_43] : memref<2048x1024xf32, #tpu.memory_space<hbm>> -> memref<32x1024xf32, #tpu.memory_space<hbm>>
    tpu.wait_dma2 semaphore(%arg11 : memref<!tpu.dma_semaphore, #tpu.memory_space<semaphore_mem>>) src(%arg7 : memref<32x1024xf32, #tpu.memory_space<vmem>>) dst(%dma_wait3A_44 : memref<32x1024xf32, #tpu.memory_space<hbm>>)
    return
  }
}

#map = affine_map<(d0, d1) -> (0)>
#map1 = affine_map<(d0, d1) -> (0, 0)>
module attributes {stable_mosaic.version = 14 : i64} {
  func.func @_dispatch(%arg0: i32, %arg1: i32, %arg2: memref<2048xi32, #tpu.memory_space<hbm>>, %arg3: memref<2048x1024xf32, #tpu.memory_space<hbm>>, %arg4: memref<6144x1024xf32, #tpu.memory_space<hbm>>, %arg5: memref<96xi32, #tpu.memory_space<hbm>>, %arg6: memref<96xi32, #tpu.memory_space<hbm>>, %arg7: memref<2048xi32, #tpu.memory_space<hbm>>, %arg8: memref<2048xi32, #tpu.memory_space<vmem>>, %arg9: memref<64xi32, #tpu.memory_space<vmem>>, %arg10: memref<64xi32, #tpu.memory_space<vmem>>, %arg11: memref<64xi32, #tpu.memory_space<vmem>>, %arg12: memref<96xi32, #tpu.memory_space<vmem>>, %arg13: memref<96xi32, #tpu.memory_space<vmem>>, %arg14: memref<96xi32, #tpu.memory_space<vmem>>, %arg15: memref<2048xi32, #tpu.memory_space<vmem>>, %arg16: memref<6144xi32, #tpu.memory_space<vmem>>, %arg17: memref<16xi32, #tpu.memory_space<vmem>>, %arg18: memref<192xi32, #tpu.memory_space<vmem>>, %arg19: memref<48x1024xf32, #tpu.memory_space<vmem>>, %arg20: memref<48x1024xf32, #tpu.memory_space<vmem>>, %arg21: memref<6144xi32, #tpu.memory_space<vmem_shared>>, %arg22: memref<16xi32, #tpu.memory_space<vmem_shared>>, %arg23: memref<!tpu.dma_semaphore, #tpu.memory_space<semaphore_mem>>, %arg24: memref<!tpu.dma_semaphore, #tpu.memory_space<semaphore_mem>>, %arg25: memref<!tpu.dma_semaphore, #tpu.memory_space<semaphore_mem>>, %arg26: memref<!tpu.dma_semaphore, #tpu.memory_space<semaphore_mem>>) attributes {dimension_semantics = [#tpu.dimension_semantics<core_parallel>, #tpu.dimension_semantics<subcore_parallel>], iteration_bounds = array<i64: 2, 16>, scalar_prefetch = 0 : i64, scratch_operands = 19 : i64, tpu.core_type = #tpu.core_type<sc_vector_subcore>, window_params = [{transform_indices = #map}, {transform_indices = #map1}, {transform_indices = #map1}, {transform_indices = #map}, {transform_indices = #map}, {transform_indices = #map}]} {
    %eq3A = arith.constant 0 : i32
    %eq3A_0 = arith.cmpi eq, %arg1, %eq3A : i32
    %convert_element_type3A = arith.extui %eq3A_0 : i1 to i32
    %cond3A = arith.constant 0 : i32
    %cond3A_1 = arith.cmpi ne, %convert_element_type3A, %cond3A : i32
    scf.if %cond3A_1 {
      "tpu.region"() ({
        %run_scoped3A = tpu.sem_alloc : memref<!tpu.dma_semaphore, #tpu.memory_space<semaphore_mem>>
        tpu.enqueue_dma source(%arg2 : memref<2048xi32, #tpu.memory_space<hbm>>) target(%arg8 : memref<2048xi32, #tpu.memory_space<vmem>>) target_semaphore(%run_scoped3A : memref<!tpu.dma_semaphore, #tpu.memory_space<semaphore_mem>>)
        tpu.wait_dma2 semaphore(%run_scoped3A : memref<!tpu.dma_semaphore, #tpu.memory_space<semaphore_mem>>) src(%arg2 : memref<2048xi32, #tpu.memory_space<hbm>>) dst(%arg8 : memref<2048xi32, #tpu.memory_space<vmem>>)
        tpu.yield
      }) : () -> ()
      %broadcast_in_dim3A = arith.constant 0 : i32
      %broadcast_in_dim3A_118 = vector.broadcast %broadcast_in_dim3A : i32 to vector<16xi32>
      %iota3A = tpu.iota {dimensions = array<i32: 0>} : vector<16xi32>
      %swap3A = arith.constant 0 : index
      %swap3A_119 = tpu.vector_load %arg9[%swap3A] {strides = array<i32>} : memref<64xi32, #tpu.memory_space<vmem>>, vector<16xi32>,
      tpu.vector_store %arg9[%swap3A], %broadcast_in_dim3A_118 {strides = array<i32>} : memref<64xi32, #tpu.memory_space<vmem>>, vector<16xi32>,
      %swap3A_120 = arith.constant 0 : index
      %swap3A_121 = tpu.vector_load %arg10[%swap3A_120] {strides = array<i32>} : memref<64xi32, #tpu.memory_space<vmem>>, vector<16xi32>,
      tpu.vector_store %arg10[%swap3A_120], %broadcast_in_dim3A_118 {strides = array<i32>} : memref<64xi32, #tpu.memory_space<vmem>>, vector<16xi32>,
      %swap3A_122 = arith.constant 16 : index
      %swap3A_123 = tpu.vector_load %arg9[%swap3A_122] {strides = array<i32>} : memref<64xi32, #tpu.memory_space<vmem>>, vector<16xi32>,
      tpu.vector_store %arg9[%swap3A_122], %broadcast_in_dim3A_118 {strides = array<i32>} : memref<64xi32, #tpu.memory_space<vmem>>, vector<16xi32>,
      %swap3A_124 = arith.constant 16 : index
      %swap3A_125 = tpu.vector_load %arg10[%swap3A_124] {strides = array<i32>} : memref<64xi32, #tpu.memory_space<vmem>>, vector<16xi32>,
      tpu.vector_store %arg10[%swap3A_124], %broadcast_in_dim3A_118 {strides = array<i32>} : memref<64xi32, #tpu.memory_space<vmem>>, vector<16xi32>,
      %swap3A_126 = arith.constant 32 : index
      %swap3A_127 = tpu.vector_load %arg9[%swap3A_126] {strides = array<i32>} : memref<64xi32, #tpu.memory_space<vmem>>, vector<16xi32>,
      tpu.vector_store %arg9[%swap3A_126], %broadcast_in_dim3A_118 {strides = array<i32>} : memref<64xi32, #tpu.memory_space<vmem>>, vector<16xi32>,
      %swap3A_128 = arith.constant 32 : index
      %swap3A_129 = tpu.vector_load %arg10[%swap3A_128] {strides = array<i32>} : memref<64xi32, #tpu.memory_space<vmem>>, vector<16xi32>,
      tpu.vector_store %arg10[%swap3A_128], %broadcast_in_dim3A_118 {strides = array<i32>} : memref<64xi32, #tpu.memory_space<vmem>>, vector<16xi32>,
      %swap3A_130 = arith.constant 48 : index
      %swap3A_131 = tpu.vector_load %arg9[%swap3A_130] {strides = array<i32>} : memref<64xi32, #tpu.memory_space<vmem>>, vector<16xi32>,
      tpu.vector_store %arg9[%swap3A_130], %broadcast_in_dim3A_118 {strides = array<i32>} : memref<64xi32, #tpu.memory_space<vmem>>, vector<16xi32>,
      %swap3A_132 = arith.constant 48 : index
      %swap3A_133 = tpu.vector_load %arg10[%swap3A_132] {strides = array<i32>} : memref<64xi32, #tpu.memory_space<vmem>>, vector<16xi32>,
      tpu.vector_store %arg10[%swap3A_132], %broadcast_in_dim3A_118 {strides = array<i32>} : memref<64xi32, #tpu.memory_space<vmem>>, vector<16xi32>,
      %swap3A_134 = arith.constant 0 : index
      %swap3A_135 = tpu.vector_load %arg12[%swap3A_134] {strides = array<i32>} : memref<96xi32, #tpu.memory_space<vmem>>, vector<16xi32>,
      tpu.vector_store %arg12[%swap3A_134], %broadcast_in_dim3A_118 {strides = array<i32>} : memref<96xi32, #tpu.memory_space<vmem>>, vector<16xi32>,
      %swap3A_136 = arith.constant 16 : index
      %swap3A_137 = tpu.vector_load %arg12[%swap3A_136] {strides = array<i32>} : memref<96xi32, #tpu.memory_space<vmem>>, vector<16xi32>,
      tpu.vector_store %arg12[%swap3A_136], %broadcast_in_dim3A_118 {strides = array<i32>} : memref<96xi32, #tpu.memory_space<vmem>>, vector<16xi32>,
      %swap3A_138 = arith.constant 32 : index
      %swap3A_139 = tpu.vector_load %arg12[%swap3A_138] {strides = array<i32>} : memref<96xi32, #tpu.memory_space<vmem>>, vector<16xi32>,
      tpu.vector_store %arg12[%swap3A_138], %broadcast_in_dim3A_118 {strides = array<i32>} : memref<96xi32, #tpu.memory_space<vmem>>, vector<16xi32>,
      %swap3A_140 = arith.constant 48 : index
      %swap3A_141 = tpu.vector_load %arg12[%swap3A_140] {strides = array<i32>} : memref<96xi32, #tpu.memory_space<vmem>>, vector<16xi32>,
      tpu.vector_store %arg12[%swap3A_140], %broadcast_in_dim3A_118 {strides = array<i32>} : memref<96xi32, #tpu.memory_space<vmem>>, vector<16xi32>,
      %swap3A_142 = arith.constant 64 : index
      %swap3A_143 = tpu.vector_load %arg12[%swap3A_142] {strides = array<i32>} : memref<96xi32, #tpu.memory_space<vmem>>, vector<16xi32>,
      tpu.vector_store %arg12[%swap3A_142], %broadcast_in_dim3A_118 {strides = array<i32>} : memref<96xi32, #tpu.memory_space<vmem>>, vector<16xi32>,
      %swap3A_144 = arith.constant 80 : index
      %swap3A_145 = tpu.vector_load %arg12[%swap3A_144] {strides = array<i32>} : memref<96xi32, #tpu.memory_space<vmem>>, vector<16xi32>,
      tpu.vector_store %arg12[%swap3A_144], %broadcast_in_dim3A_118 {strides = array<i32>} : memref<96xi32, #tpu.memory_space<vmem>>, vector<16xi32>,
      %scan3A = arith.constant 0 : i32
      %scan3A_146 = arith.constant 0 : i32
      %scan3A_147 = arith.constant 384 : i32
      %scan3A_148 = arith.addi %scan3A_146, %scan3A_147 : i32
      %scan3A_149 = arith.constant 1 : i32
      scf.for %scan3A_546 = %scan3A_146 to %scan3A_148 step %scan3A_149  : i32 {
        %mul3A_547 = arith.constant 16 : i32
        %mul3A_548 = arith.muli %scan3A_546, %mul3A_547 : i32
        %add3A_549 = vector.broadcast %mul3A_548 : i32 to vector<16xi32>
        %add3A_550 = arith.addi %iota3A, %add3A_549 : vector<16xi32>
        %and3A_551 = arith.constant 2047 : i32
        %and3A_552 = vector.broadcast %and3A_551 : i32 to vector<16xi32>
        %and3A_553 = arith.andi %add3A_550, %and3A_552 : vector<16xi32>
        %mul3A_554 = arith.constant 16 : i32
        %mul3A_555 = arith.muli %scan3A_546, %mul3A_554 : i32
        %swap3A_556 = arith.index_cast %mul3A_555 : i32 to index
        %swap3A_557 = tpu.vector_load %arg16[%swap3A_556] {strides = array<i32>} : memref<6144xi32, #tpu.memory_space<vmem>>, vector<16xi32>,
        tpu.vector_store %arg16[%swap3A_556], %and3A_553 {strides = array<i32>} : memref<6144xi32, #tpu.memory_space<vmem>>, vector<16xi32>,
      }
      %scan3A_150 = arith.constant 384 : i32
      %scan3A_151 = arith.constant 0 : i32
      %scan3A_152 = arith.constant 0 : i32
      %scan3A_153 = arith.constant 128 : i32
      %scan3A_154 = arith.addi %scan3A_152, %scan3A_153 : i32
      %scan3A_155 = arith.constant 1 : i32
      scf.for %scan3A_546 = %scan3A_152 to %scan3A_154 step %scan3A_155  : i32 {
        %mul3A_547 = arith.constant 16 : i32
        %mul3A_548 = arith.muli %scan3A_546, %mul3A_547 : i32
        %get3A_549 = arith.index_cast %mul3A_548 : i32 to index
        %get3A_550 = tpu.vector_load %arg8[%get3A_549] {strides = array<i32>} : memref<2048xi32, #tpu.memory_space<vmem>>, vector<16xi32>,
        %gather3A = tpu.vector_load_idx %arg9[%get3A_550] : memref<64xi32, #tpu.memory_space<vmem>>[vector<16xi32>], vector<16xi32>,
        %broadcast_in_dim3A_551 = arith.constant true
        %broadcast_in_dim3A_552 = vector.broadcast %broadcast_in_dim3A_551 : i1 to vector<16xi1>
        %unique3A, %unique3A_553 = tpu.scan_count mask(%broadcast_in_dim3A_552 : vector<16xi1>) value(%get3A_550 : vector<16xi32>) : vector<16xi1>, vector<16xi32>
        %add3A_554 = arith.addi %gather3A, %unique3A_553 : vector<16xi32>
        tpu.vector_store_idx %arg9[%get3A_550], %add3A_554 masked %unique3A : memref<64xi32, #tpu.memory_space<vmem>>[vector<16xi32>], vector<16xi32>, vector<16xi1>
      }
      %scan3A_156 = arith.constant 128 : i32
      %get3A_157 = arith.constant 0 : index
      %get3A_158 = tpu.vector_load %arg9[%get3A_157] {strides = array<i32>} : memref<64xi32, #tpu.memory_space<vmem>>, vector<16xi32>,
      %add3A_159 = arith.constant 63 : i32
      %add3A_160 = vector.broadcast %add3A_159 : i32 to vector<16xi32>
      %add3A_161 = arith.addi %get3A_158, %add3A_160 : vector<16xi32>
      %jit3A = arith.constant 64 : i32
      %div3A = vector.broadcast %jit3A : i32 to vector<16xi32>
      %div3A_162 = arith.divsi %add3A_161, %div3A : vector<16xi32>
      %sign3A = arith.constant 0 : i32
      %sign3A_163 = vector.broadcast %sign3A : i32 to vector<16xi32>
      %sign3A_164 = arith.cmpi sgt, %add3A_161, %sign3A_163 : vector<16xi32>
      %sign3A_165 = arith.extui %sign3A_164 : vector<16xi1> to vector<16xi32>
      %sign3A_166 = arith.constant 0 : i32
      %sign3A_167 = vector.broadcast %sign3A_166 : i32 to vector<16xi32>
      %sign3A_168 = arith.cmpi slt, %add3A_161, %sign3A_167 : vector<16xi32>
      %sign3A_169 = arith.extui %sign3A_168 : vector<16xi1> to vector<16xi32>
      %sign3A_170 = arith.subi %sign3A_165, %sign3A_169 : vector<16xi32>
      %sign3A_171 = arith.constant 0 : i32
      %sign3A_172 = arith.cmpi sgt, %jit3A, %sign3A_171 : i32
      %sign3A_173 = arith.extui %sign3A_172 : i1 to i32
      %sign3A_174 = arith.constant 0 : i32
      %sign3A_175 = arith.cmpi slt, %jit3A, %sign3A_174 : i32
      %sign3A_176 = arith.extui %sign3A_175 : i1 to i32
      %sign3A_177 = arith.subi %sign3A_173, %sign3A_176 : i32
      %ne3A = vector.broadcast %sign3A_177 : i32 to vector<16xi32>
      %ne3A_178 = arith.cmpi ne, %sign3A_170, %ne3A : vector<16xi32>
      %rem3A = vector.broadcast %jit3A : i32 to vector<16xi32>
      %rem3A_179 = arith.remsi %add3A_161, %rem3A : vector<16xi32>
      %ne3A_180 = arith.constant 0 : i32
      %ne3A_181 = vector.broadcast %ne3A_180 : i32 to vector<16xi32>
      %ne3A_182 = arith.cmpi ne, %rem3A_179, %ne3A_181 : vector<16xi32>
      %and3A_183 = arith.andi %ne3A_178, %ne3A_182 : vector<16xi1>
      %sub3A = arith.constant 1 : i32
      %sub3A_184 = vector.broadcast %sub3A : i32 to vector<16xi32>
      %sub3A_185 = arith.subi %div3A_162, %sub3A_184 : vector<16xi32>
      %select_n3A = arith.select %and3A_183, %sub3A_185, %div3A_162 : vector<16xi1>, vector<16xi32>
      %broadcast_in_dim3A_186 = arith.constant true
      %broadcast_in_dim3A_187 = vector.broadcast %broadcast_in_dim3A_186 : i1 to vector<16xi1>
      %masked_cumsum3A = tpu.scan <sum>, %select_n3A masked %broadcast_in_dim3A_187 : vector<16xi32>, vector<16xi1> -> vector<16xi32>
      %add3A_188 = arith.constant 0 : i32
      %add3A_189 = vector.broadcast %add3A_188 : i32 to vector<16xi32>
      %add3A_190 = arith.addi %masked_cumsum3A, %add3A_189 : vector<16xi32>
      %sub3A_191 = arith.subi %add3A_190, %select_n3A : vector<16xi32>
      %mul3A_192 = arith.constant 64 : i32
      %mul3A_193 = vector.broadcast %mul3A_192 : i32 to vector<16xi32>
      %mul3A_194 = arith.muli %sub3A_191, %mul3A_193 : vector<16xi32>
      %swap3A_195 = arith.constant 0 : index
      %swap3A_196 = tpu.vector_load %arg11[%swap3A_195] {strides = array<i32>} : memref<64xi32, #tpu.memory_space<vmem>>, vector<16xi32>,
      tpu.vector_store %arg11[%swap3A_195], %mul3A_194 {strides = array<i32>} : memref<64xi32, #tpu.memory_space<vmem>>, vector<16xi32>,
      %add3A_197 = arith.constant 1 : i32
      %add3A_198 = vector.broadcast %add3A_197 : i32 to vector<16xi32>
      %add3A_199 = arith.addi %iota3A, %add3A_198 : vector<16xi32>
      %gt3A = arith.constant 0 : i32
      %gt3A_200 = vector.broadcast %gt3A : i32 to vector<16xi32>
      %gt3A_201 = arith.cmpi sgt, %select_n3A, %gt3A_200 : vector<16xi32>
      tpu.vector_store_idx %arg12[%sub3A_191], %add3A_199 masked %gt3A_201 : memref<96xi32, #tpu.memory_space<vmem>>[vector<16xi32>], vector<16xi32>, vector<16xi1>
      %slice3A_202 = vector.extract_strided_slice %add3A_190 {offsets = [15], sizes = [1], strides = [1]} : vector<16xi32> to vector<1xi32>
      %squeeze3A_203 = vector.extract %slice3A_202[0] : i32 from vector<1xi32>
      %get3A_204 = arith.constant 16 : index
      %get3A_205 = tpu.vector_load %arg9[%get3A_204] {strides = array<i32>} : memref<64xi32, #tpu.memory_space<vmem>>, vector<16xi32>,
      %add3A_206 = arith.constant 63 : i32
      %add3A_207 = vector.broadcast %add3A_206 : i32 to vector<16xi32>
      %add3A_208 = arith.addi %get3A_205, %add3A_207 : vector<16xi32>
      %jit3A_209 = arith.constant 64 : i32
      %div3A_210 = vector.broadcast %jit3A_209 : i32 to vector<16xi32>
      %div3A_211 = arith.divsi %add3A_208, %div3A_210 : vector<16xi32>
      %sign3A_212 = arith.constant 0 : i32
      %sign3A_213 = vector.broadcast %sign3A_212 : i32 to vector<16xi32>
      %sign3A_214 = arith.cmpi sgt, %add3A_208, %sign3A_213 : vector<16xi32>
      %sign3A_215 = arith.extui %sign3A_214 : vector<16xi1> to vector<16xi32>
      %sign3A_216 = arith.constant 0 : i32
      %sign3A_217 = vector.broadcast %sign3A_216 : i32 to vector<16xi32>
      %sign3A_218 = arith.cmpi slt, %add3A_208, %sign3A_217 : vector<16xi32>
      %sign3A_219 = arith.extui %sign3A_218 : vector<16xi1> to vector<16xi32>
      %sign3A_220 = arith.subi %sign3A_215, %sign3A_219 : vector<16xi32>
      %sign3A_221 = arith.constant 0 : i32
      %sign3A_222 = arith.cmpi sgt, %jit3A_209, %sign3A_221 : i32
      %sign3A_223 = arith.extui %sign3A_222 : i1 to i32
      %sign3A_224 = arith.constant 0 : i32
      %sign3A_225 = arith.cmpi slt, %jit3A_209, %sign3A_224 : i32
      %sign3A_226 = arith.extui %sign3A_225 : i1 to i32
      %sign3A_227 = arith.subi %sign3A_223, %sign3A_226 : i32
      %ne3A_228 = vector.broadcast %sign3A_227 : i32 to vector<16xi32>
      %ne3A_229 = arith.cmpi ne, %sign3A_220, %ne3A_228 : vector<16xi32>
      %rem3A_230 = vector.broadcast %jit3A_209 : i32 to vector<16xi32>
      %rem3A_231 = arith.remsi %add3A_208, %rem3A_230 : vector<16xi32>
      %ne3A_232 = arith.constant 0 : i32
      %ne3A_233 = vector.broadcast %ne3A_232 : i32 to vector<16xi32>
      %ne3A_234 = arith.cmpi ne, %rem3A_231, %ne3A_233 : vector<16xi32>
      %and3A_235 = arith.andi %ne3A_229, %ne3A_234 : vector<16xi1>
      %sub3A_236 = arith.constant 1 : i32
      %sub3A_237 = vector.broadcast %sub3A_236 : i32 to vector<16xi32>
      %sub3A_238 = arith.subi %div3A_211, %sub3A_237 : vector<16xi32>
      %select_n3A_239 = arith.select %and3A_235, %sub3A_238, %div3A_211 : vector<16xi1>, vector<16xi32>
      %broadcast_in_dim3A_240 = arith.constant true
      %broadcast_in_dim3A_241 = vector.broadcast %broadcast_in_dim3A_240 : i1 to vector<16xi1>
      %masked_cumsum3A_242 = tpu.scan <sum>, %select_n3A_239 masked %broadcast_in_dim3A_241 : vector<16xi32>, vector<16xi1> -> vector<16xi32>
      %add3A_243 = vector.broadcast %squeeze3A_203 : i32 to vector<16xi32>
      %add3A_244 = arith.addi %masked_cumsum3A_242, %add3A_243 : vector<16xi32>
      %sub3A_245 = arith.subi %add3A_244, %select_n3A_239 : vector<16xi32>
      %mul3A_246 = arith.constant 64 : i32
      %mul3A_247 = vector.broadcast %mul3A_246 : i32 to vector<16xi32>
      %mul3A_248 = arith.muli %sub3A_245, %mul3A_247 : vector<16xi32>
      %swap3A_249 = arith.constant 16 : index
      %swap3A_250 = tpu.vector_load %arg11[%swap3A_249] {strides = array<i32>} : memref<64xi32, #tpu.memory_space<vmem>>, vector<16xi32>,
      tpu.vector_store %arg11[%swap3A_249], %mul3A_248 {strides = array<i32>} : memref<64xi32, #tpu.memory_space<vmem>>, vector<16xi32>,
      %add3A_251 = arith.constant 17 : i32
      %add3A_252 = vector.broadcast %add3A_251 : i32 to vector<16xi32>
      %add3A_253 = arith.addi %iota3A, %add3A_252 : vector<16xi32>
      %gt3A_254 = arith.constant 0 : i32
      %gt3A_255 = vector.broadcast %gt3A_254 : i32 to vector<16xi32>
      %gt3A_256 = arith.cmpi sgt, %select_n3A_239, %gt3A_255 : vector<16xi32>
      tpu.vector_store_idx %arg12[%sub3A_245], %add3A_253 masked %gt3A_256 : memref<96xi32, #tpu.memory_space<vmem>>[vector<16xi32>], vector<16xi32>, vector<16xi1>
      %slice3A_257 = vector.extract_strided_slice %add3A_244 {offsets = [15], sizes = [1], strides = [1]} : vector<16xi32> to vector<1xi32>
      %squeeze3A_258 = vector.extract %slice3A_257[0] : i32 from vector<1xi32>
      %get3A_259 = arith.constant 32 : index
      %get3A_260 = tpu.vector_load %arg9[%get3A_259] {strides = array<i32>} : memref<64xi32, #tpu.memory_space<vmem>>, vector<16xi32>,
      %add3A_261 = arith.constant 63 : i32
      %add3A_262 = vector.broadcast %add3A_261 : i32 to vector<16xi32>
      %add3A_263 = arith.addi %get3A_260, %add3A_262 : vector<16xi32>
      %jit3A_264 = arith.constant 64 : i32
      %div3A_265 = vector.broadcast %jit3A_264 : i32 to vector<16xi32>
      %div3A_266 = arith.divsi %add3A_263, %div3A_265 : vector<16xi32>
      %sign3A_267 = arith.constant 0 : i32
      %sign3A_268 = vector.broadcast %sign3A_267 : i32 to vector<16xi32>
      %sign3A_269 = arith.cmpi sgt, %add3A_263, %sign3A_268 : vector<16xi32>
      %sign3A_270 = arith.extui %sign3A_269 : vector<16xi1> to vector<16xi32>
      %sign3A_271 = arith.constant 0 : i32
      %sign3A_272 = vector.broadcast %sign3A_271 : i32 to vector<16xi32>
      %sign3A_273 = arith.cmpi slt, %add3A_263, %sign3A_272 : vector<16xi32>
      %sign3A_274 = arith.extui %sign3A_273 : vector<16xi1> to vector<16xi32>
      %sign3A_275 = arith.subi %sign3A_270, %sign3A_274 : vector<16xi32>
      %sign3A_276 = arith.constant 0 : i32
      %sign3A_277 = arith.cmpi sgt, %jit3A_264, %sign3A_276 : i32
      %sign3A_278 = arith.extui %sign3A_277 : i1 to i32
      %sign3A_279 = arith.constant 0 : i32
      %sign3A_280 = arith.cmpi slt, %jit3A_264, %sign3A_279 : i32
      %sign3A_281 = arith.extui %sign3A_280 : i1 to i32
      %sign3A_282 = arith.subi %sign3A_278, %sign3A_281 : i32
      %ne3A_283 = vector.broadcast %sign3A_282 : i32 to vector<16xi32>
      %ne3A_284 = arith.cmpi ne, %sign3A_275, %ne3A_283 : vector<16xi32>
      %rem3A_285 = vector.broadcast %jit3A_264 : i32 to vector<16xi32>
      %rem3A_286 = arith.remsi %add3A_263, %rem3A_285 : vector<16xi32>
      %ne3A_287 = arith.constant 0 : i32
      %ne3A_288 = vector.broadcast %ne3A_287 : i32 to vector<16xi32>
      %ne3A_289 = arith.cmpi ne, %rem3A_286, %ne3A_288 : vector<16xi32>
      %and3A_290 = arith.andi %ne3A_284, %ne3A_289 : vector<16xi1>
      %sub3A_291 = arith.constant 1 : i32
      %sub3A_292 = vector.broadcast %sub3A_291 : i32 to vector<16xi32>
      %sub3A_293 = arith.subi %div3A_266, %sub3A_292 : vector<16xi32>
      %select_n3A_294 = arith.select %and3A_290, %sub3A_293, %div3A_266 : vector<16xi1>, vector<16xi32>
      %broadcast_in_dim3A_295 = arith.constant true
      %broadcast_in_dim3A_296 = vector.broadcast %broadcast_in_dim3A_295 : i1 to vector<16xi1>
      %masked_cumsum3A_297 = tpu.scan <sum>, %select_n3A_294 masked %broadcast_in_dim3A_296 : vector<16xi32>, vector<16xi1> -> vector<16xi32>
      %add3A_298 = vector.broadcast %squeeze3A_258 : i32 to vector<16xi32>
      %add3A_299 = arith.addi %masked_cumsum3A_297, %add3A_298 : vector<16xi32>
      %sub3A_300 = arith.subi %add3A_299, %select_n3A_294 : vector<16xi32>
      %mul3A_301 = arith.constant 64 : i32
      %mul3A_302 = vector.broadcast %mul3A_301 : i32 to vector<16xi32>
      %mul3A_303 = arith.muli %sub3A_300, %mul3A_302 : vector<16xi32>
      %swap3A_304 = arith.constant 32 : index
      %swap3A_305 = tpu.vector_load %arg11[%swap3A_304] {strides = array<i32>} : memref<64xi32, #tpu.memory_space<vmem>>, vector<16xi32>,
      tpu.vector_store %arg11[%swap3A_304], %mul3A_303 {strides = array<i32>} : memref<64xi32, #tpu.memory_space<vmem>>, vector<16xi32>,
      %add3A_306 = arith.constant 33 : i32
      %add3A_307 = vector.broadcast %add3A_306 : i32 to vector<16xi32>
      %add3A_308 = arith.addi %iota3A, %add3A_307 : vector<16xi32>
      %gt3A_309 = arith.constant 0 : i32
      %gt3A_310 = vector.broadcast %gt3A_309 : i32 to vector<16xi32>
      %gt3A_311 = arith.cmpi sgt, %select_n3A_294, %gt3A_310 : vector<16xi32>
      tpu.vector_store_idx %arg12[%sub3A_300], %add3A_308 masked %gt3A_311 : memref<96xi32, #tpu.memory_space<vmem>>[vector<16xi32>], vector<16xi32>, vector<16xi1>
      %slice3A_312 = vector.extract_strided_slice %add3A_299 {offsets = [15], sizes = [1], strides = [1]} : vector<16xi32> to vector<1xi32>
      %squeeze3A_313 = vector.extract %slice3A_312[0] : i32 from vector<1xi32>
      %get3A_314 = arith.constant 48 : index
      %get3A_315 = tpu.vector_load %arg9[%get3A_314] {strides = array<i32>} : memref<64xi32, #tpu.memory_space<vmem>>, vector<16xi32>,
      %add3A_316 = arith.constant 63 : i32
      %add3A_317 = vector.broadcast %add3A_316 : i32 to vector<16xi32>
      %add3A_318 = arith.addi %get3A_315, %add3A_317 : vector<16xi32>
      %jit3A_319 = arith.constant 64 : i32
      %div3A_320 = vector.broadcast %jit3A_319 : i32 to vector<16xi32>
      %div3A_321 = arith.divsi %add3A_318, %div3A_320 : vector<16xi32>
      %sign3A_322 = arith.constant 0 : i32
      %sign3A_323 = vector.broadcast %sign3A_322 : i32 to vector<16xi32>
      %sign3A_324 = arith.cmpi sgt, %add3A_318, %sign3A_323 : vector<16xi32>
      %sign3A_325 = arith.extui %sign3A_324 : vector<16xi1> to vector<16xi32>
      %sign3A_326 = arith.constant 0 : i32
      %sign3A_327 = vector.broadcast %sign3A_326 : i32 to vector<16xi32>
      %sign3A_328 = arith.cmpi slt, %add3A_318, %sign3A_327 : vector<16xi32>
      %sign3A_329 = arith.extui %sign3A_328 : vector<16xi1> to vector<16xi32>
      %sign3A_330 = arith.subi %sign3A_325, %sign3A_329 : vector<16xi32>
      %sign3A_331 = arith.constant 0 : i32
      %sign3A_332 = arith.cmpi sgt, %jit3A_319, %sign3A_331 : i32
      %sign3A_333 = arith.extui %sign3A_332 : i1 to i32
      %sign3A_334 = arith.constant 0 : i32
      %sign3A_335 = arith.cmpi slt, %jit3A_319, %sign3A_334 : i32
      %sign3A_336 = arith.extui %sign3A_335 : i1 to i32
      %sign3A_337 = arith.subi %sign3A_333, %sign3A_336 : i32
      %ne3A_338 = vector.broadcast %sign3A_337 : i32 to vector<16xi32>
      %ne3A_339 = arith.cmpi ne, %sign3A_330, %ne3A_338 : vector<16xi32>
      %rem3A_340 = vector.broadcast %jit3A_319 : i32 to vector<16xi32>
      %rem3A_341 = arith.remsi %add3A_318, %rem3A_340 : vector<16xi32>
      %ne3A_342 = arith.constant 0 : i32
      %ne3A_343 = vector.broadcast %ne3A_342 : i32 to vector<16xi32>
      %ne3A_344 = arith.cmpi ne, %rem3A_341, %ne3A_343 : vector<16xi32>
      %and3A_345 = arith.andi %ne3A_339, %ne3A_344 : vector<16xi1>
      %sub3A_346 = arith.constant 1 : i32
      %sub3A_347 = vector.broadcast %sub3A_346 : i32 to vector<16xi32>
      %sub3A_348 = arith.subi %div3A_321, %sub3A_347 : vector<16xi32>
      %select_n3A_349 = arith.select %and3A_345, %sub3A_348, %div3A_321 : vector<16xi1>, vector<16xi32>
      %broadcast_in_dim3A_350 = arith.constant true
      %broadcast_in_dim3A_351 = vector.broadcast %broadcast_in_dim3A_350 : i1 to vector<16xi1>
      %masked_cumsum3A_352 = tpu.scan <sum>, %select_n3A_349 masked %broadcast_in_dim3A_351 : vector<16xi32>, vector<16xi1> -> vector<16xi32>
      %add3A_353 = vector.broadcast %squeeze3A_313 : i32 to vector<16xi32>
      %add3A_354 = arith.addi %masked_cumsum3A_352, %add3A_353 : vector<16xi32>
      %sub3A_355 = arith.subi %add3A_354, %select_n3A_349 : vector<16xi32>
      %mul3A_356 = arith.constant 64 : i32
      %mul3A_357 = vector.broadcast %mul3A_356 : i32 to vector<16xi32>
      %mul3A_358 = arith.muli %sub3A_355, %mul3A_357 : vector<16xi32>
      %swap3A_359 = arith.constant 48 : index
      %swap3A_360 = tpu.vector_load %arg11[%swap3A_359] {strides = array<i32>} : memref<64xi32, #tpu.memory_space<vmem>>, vector<16xi32>,
      tpu.vector_store %arg11[%swap3A_359], %mul3A_358 {strides = array<i32>} : memref<64xi32, #tpu.memory_space<vmem>>, vector<16xi32>,
      %add3A_361 = arith.constant 49 : i32
      %add3A_362 = vector.broadcast %add3A_361 : i32 to vector<16xi32>
      %add3A_363 = arith.addi %iota3A, %add3A_362 : vector<16xi32>
      %gt3A_364 = arith.constant 0 : i32
      %gt3A_365 = vector.broadcast %gt3A_364 : i32 to vector<16xi32>
      %gt3A_366 = arith.cmpi sgt, %select_n3A_349, %gt3A_365 : vector<16xi32>
      tpu.vector_store_idx %arg12[%sub3A_355], %add3A_363 masked %gt3A_366 : memref<96xi32, #tpu.memory_space<vmem>>[vector<16xi32>], vector<16xi32>, vector<16xi1>
      %slice3A_367 = vector.extract_strided_slice %add3A_354 {offsets = [15], sizes = [1], strides = [1]} : vector<16xi32> to vector<1xi32>
      %squeeze3A_368 = vector.extract %slice3A_367[0] : i32 from vector<1xi32>
      %get3A_369 = arith.constant 0 : index
      %get3A_370 = tpu.vector_load %arg12[%get3A_369] {strides = array<i32>} : memref<96xi32, #tpu.memory_space<vmem>>, vector<16xi32>,
      %broadcast_in_dim3A_371 = arith.constant true
      %broadcast_in_dim3A_372 = vector.broadcast %broadcast_in_dim3A_371 : i1 to vector<16xi1>
      %masked_cummax3A = arith.constant -2147483648 : i32
      %masked_cummax3A_373 = vector.broadcast %masked_cummax3A : i32 to vector<16xi32>
      %masked_cummax3A_374 = arith.xori %get3A_370, %masked_cummax3A_373 : vector<16xi32>
      %masked_cummax3A_375 = tpu.scan <max>, %masked_cummax3A_374 masked %broadcast_in_dim3A_372 : vector<16xi32>, vector<16xi1> -> vector<16xi32>
      %masked_cummax3A_376 = arith.xori %masked_cummax3A_375, %masked_cummax3A_373 : vector<16xi32>
      %max3A = arith.constant 0 : i32
      %max3A_377 = vector.broadcast %max3A : i32 to vector<16xi32>
      %max3A_378 = arith.maxsi %masked_cummax3A_376, %max3A_377 : vector<16xi32>
      %sub3A_379 = arith.constant 1 : i32
      %sub3A_380 = vector.broadcast %sub3A_379 : i32 to vector<16xi32>
      %sub3A_381 = arith.subi %max3A_378, %sub3A_380 : vector<16xi32>
      %swap3A_382 = arith.constant 0 : index
      %swap3A_383 = tpu.vector_load %arg13[%swap3A_382] {strides = array<i32>} : memref<96xi32, #tpu.memory_space<vmem>>, vector<16xi32>,
      tpu.vector_store %arg13[%swap3A_382], %sub3A_381 {strides = array<i32>} : memref<96xi32, #tpu.memory_space<vmem>>, vector<16xi32>,
      %add3A_384 = arith.constant 0 : i32
      %add3A_385 = vector.broadcast %add3A_384 : i32 to vector<16xi32>
      %add3A_386 = arith.addi %iota3A, %add3A_385 : vector<16xi32>
      %lt3A_387 = vector.broadcast %squeeze3A_368 : i32 to vector<16xi32>
      %lt3A_388 = arith.cmpi slt, %add3A_386, %lt3A_387 : vector<16xi32>
      %convert_element_type3A_389 = arith.extui %lt3A_388 : vector<16xi1> to vector<16xi32>
      %swap3A_390 = arith.constant 0 : index
      %swap3A_391 = tpu.vector_load %arg14[%swap3A_390] {strides = array<i32>} : memref<96xi32, #tpu.memory_space<vmem>>, vector<16xi32>,
      tpu.vector_store %arg14[%swap3A_390], %convert_element_type3A_389 {strides = array<i32>} : memref<96xi32, #tpu.memory_space<vmem>>, vector<16xi32>,
      %slice3A_392 = vector.extract_strided_slice %max3A_378 {offsets = [15], sizes = [1], strides = [1]} : vector<16xi32> to vector<1xi32>
      %squeeze3A_393 = vector.extract %slice3A_392[0] : i32 from vector<1xi32>
      %get3A_394 = arith.constant 16 : index
      %get3A_395 = tpu.vector_load %arg12[%get3A_394] {strides = array<i32>} : memref<96xi32, #tpu.memory_space<vmem>>, vector<16xi32>,
      %broadcast_in_dim3A_396 = arith.constant true
      %broadcast_in_dim3A_397 = vector.broadcast %broadcast_in_dim3A_396 : i1 to vector<16xi1>
      %masked_cummax3A_398 = arith.constant -2147483648 : i32
      %masked_cummax3A_399 = vector.broadcast %masked_cummax3A_398 : i32 to vector<16xi32>
      %masked_cummax3A_400 = arith.xori %get3A_395, %masked_cummax3A_399 : vector<16xi32>
      %masked_cummax3A_401 = tpu.scan <max>, %masked_cummax3A_400 masked %broadcast_in_dim3A_397 : vector<16xi32>, vector<16xi1> -> vector<16xi32>
      %masked_cummax3A_402 = arith.xori %masked_cummax3A_401, %masked_cummax3A_399 : vector<16xi32>
      %max3A_403 = vector.broadcast %squeeze3A_393 : i32 to vector<16xi32>
      %max3A_404 = arith.maxsi %masked_cummax3A_402, %max3A_403 : vector<16xi32>
      %sub3A_405 = arith.constant 1 : i32
      %sub3A_406 = vector.broadcast %sub3A_405 : i32 to vector<16xi32>
      %sub3A_407 = arith.subi %max3A_404, %sub3A_406 : vector<16xi32>
      %swap3A_408 = arith.constant 16 : index
      %swap3A_409 = tpu.vector_load %arg13[%swap3A_408] {strides = array<i32>} : memref<96xi32, #tpu.memory_space<vmem>>, vector<16xi32>,
      tpu.vector_store %arg13[%swap3A_408], %sub3A_407 {strides = array<i32>} : memref<96xi32, #tpu.memory_space<vmem>>, vector<16xi32>,
      %add3A_410 = arith.constant 16 : i32
      %add3A_411 = vector.broadcast %add3A_410 : i32 to vector<16xi32>
      %add3A_412 = arith.addi %iota3A, %add3A_411 : vector<16xi32>
      %lt3A_413 = vector.broadcast %squeeze3A_368 : i32 to vector<16xi32>
      %lt3A_414 = arith.cmpi slt, %add3A_412, %lt3A_413 : vector<16xi32>
      %convert_element_type3A_415 = arith.extui %lt3A_414 : vector<16xi1> to vector<16xi32>
      %swap3A_416 = arith.constant 16 : index
      %swap3A_417 = tpu.vector_load %arg14[%swap3A_416] {strides = array<i32>} : memref<96xi32, #tpu.memory_space<vmem>>, vector<16xi32>,
      tpu.vector_store %arg14[%swap3A_416], %convert_element_type3A_415 {strides = array<i32>} : memref<96xi32, #tpu.memory_space<vmem>>, vector<16xi32>,
      %slice3A_418 = vector.extract_strided_slice %max3A_404 {offsets = [15], sizes = [1], strides = [1]} : vector<16xi32> to vector<1xi32>
      %squeeze3A_419 = vector.extract %slice3A_418[0] : i32 from vector<1xi32>
      %get3A_420 = arith.constant 32 : index
      %get3A_421 = tpu.vector_load %arg12[%get3A_420] {strides = array<i32>} : memref<96xi32, #tpu.memory_space<vmem>>, vector<16xi32>,
      %broadcast_in_dim3A_422 = arith.constant true
      %broadcast_in_dim3A_423 = vector.broadcast %broadcast_in_dim3A_422 : i1 to vector<16xi1>
      %masked_cummax3A_424 = arith.constant -2147483648 : i32
      %masked_cummax3A_425 = vector.broadcast %masked_cummax3A_424 : i32 to vector<16xi32>
      %masked_cummax3A_426 = arith.xori %get3A_421, %masked_cummax3A_425 : vector<16xi32>
      %masked_cummax3A_427 = tpu.scan <max>, %masked_cummax3A_426 masked %broadcast_in_dim3A_423 : vector<16xi32>, vector<16xi1> -> vector<16xi32>
      %masked_cummax3A_428 = arith.xori %masked_cummax3A_427, %masked_cummax3A_425 : vector<16xi32>
      %max3A_429 = vector.broadcast %squeeze3A_419 : i32 to vector<16xi32>
      %max3A_430 = arith.maxsi %masked_cummax3A_428, %max3A_429 : vector<16xi32>
      %sub3A_431 = arith.constant 1 : i32
      %sub3A_432 = vector.broadcast %sub3A_431 : i32 to vector<16xi32>
      %sub3A_433 = arith.subi %max3A_430, %sub3A_432 : vector<16xi32>
      %swap3A_434 = arith.constant 32 : index
      %swap3A_435 = tpu.vector_load %arg13[%swap3A_434] {strides = array<i32>} : memref<96xi32, #tpu.memory_space<vmem>>, vector<16xi32>,
      tpu.vector_store %arg13[%swap3A_434], %sub3A_433 {strides = array<i32>} : memref<96xi32, #tpu.memory_space<vmem>>, vector<16xi32>,
      %add3A_436 = arith.constant 32 : i32
      %add3A_437 = vector.broadcast %add3A_436 : i32 to vector<16xi32>
      %add3A_438 = arith.addi %iota3A, %add3A_437 : vector<16xi32>
      %lt3A_439 = vector.broadcast %squeeze3A_368 : i32 to vector<16xi32>
      %lt3A_440 = arith.cmpi slt, %add3A_438, %lt3A_439 : vector<16xi32>
      %convert_element_type3A_441 = arith.extui %lt3A_440 : vector<16xi1> to vector<16xi32>
      %swap3A_442 = arith.constant 32 : index
      %swap3A_443 = tpu.vector_load %arg14[%swap3A_442] {strides = array<i32>} : memref<96xi32, #tpu.memory_space<vmem>>, vector<16xi32>,
      tpu.vector_store %arg14[%swap3A_442], %convert_element_type3A_441 {strides = array<i32>} : memref<96xi32, #tpu.memory_space<vmem>>, vector<16xi32>,
      %slice3A_444 = vector.extract_strided_slice %max3A_430 {offsets = [15], sizes = [1], strides = [1]} : vector<16xi32> to vector<1xi32>
      %squeeze3A_445 = vector.extract %slice3A_444[0] : i32 from vector<1xi32>
      %get3A_446 = arith.constant 48 : index
      %get3A_447 = tpu.vector_load %arg12[%get3A_446] {strides = array<i32>} : memref<96xi32, #tpu.memory_space<vmem>>, vector<16xi32>,
      %broadcast_in_dim3A_448 = arith.constant true
      %broadcast_in_dim3A_449 = vector.broadcast %broadcast_in_dim3A_448 : i1 to vector<16xi1>
      %masked_cummax3A_450 = arith.constant -2147483648 : i32
      %masked_cummax3A_451 = vector.broadcast %masked_cummax3A_450 : i32 to vector<16xi32>
      %masked_cummax3A_452 = arith.xori %get3A_447, %masked_cummax3A_451 : vector<16xi32>
      %masked_cummax3A_453 = tpu.scan <max>, %masked_cummax3A_452 masked %broadcast_in_dim3A_449 : vector<16xi32>, vector<16xi1> -> vector<16xi32>
      %masked_cummax3A_454 = arith.xori %masked_cummax3A_453, %masked_cummax3A_451 : vector<16xi32>
      %max3A_455 = vector.broadcast %squeeze3A_445 : i32 to vector<16xi32>
      %max3A_456 = arith.maxsi %masked_cummax3A_454, %max3A_455 : vector<16xi32>
      %sub3A_457 = arith.constant 1 : i32
      %sub3A_458 = vector.broadcast %sub3A_457 : i32 to vector<16xi32>
      %sub3A_459 = arith.subi %max3A_456, %sub3A_458 : vector<16xi32>
      %swap3A_460 = arith.constant 48 : index
      %swap3A_461 = tpu.vector_load %arg13[%swap3A_460] {strides = array<i32>} : memref<96xi32, #tpu.memory_space<vmem>>, vector<16xi32>,
      tpu.vector_store %arg13[%swap3A_460], %sub3A_459 {strides = array<i32>} : memref<96xi32, #tpu.memory_space<vmem>>, vector<16xi32>,
      %add3A_462 = arith.constant 48 : i32
      %add3A_463 = vector.broadcast %add3A_462 : i32 to vector<16xi32>
      %add3A_464 = arith.addi %iota3A, %add3A_463 : vector<16xi32>
      %lt3A_465 = vector.broadcast %squeeze3A_368 : i32 to vector<16xi32>
      %lt3A_466 = arith.cmpi slt, %add3A_464, %lt3A_465 : vector<16xi32>
      %convert_element_type3A_467 = arith.extui %lt3A_466 : vector<16xi1> to vector<16xi32>
      %swap3A_468 = arith.constant 48 : index
      %swap3A_469 = tpu.vector_load %arg14[%swap3A_468] {strides = array<i32>} : memref<96xi32, #tpu.memory_space<vmem>>, vector<16xi32>,
      tpu.vector_store %arg14[%swap3A_468], %convert_element_type3A_467 {strides = array<i32>} : memref<96xi32, #tpu.memory_space<vmem>>, vector<16xi32>,
      %slice3A_470 = vector.extract_strided_slice %max3A_456 {offsets = [15], sizes = [1], strides = [1]} : vector<16xi32> to vector<1xi32>
      %squeeze3A_471 = vector.extract %slice3A_470[0] : i32 from vector<1xi32>
      %get3A_472 = arith.constant 64 : index
      %get3A_473 = tpu.vector_load %arg12[%get3A_472] {strides = array<i32>} : memref<96xi32, #tpu.memory_space<vmem>>, vector<16xi32>,
      %broadcast_in_dim3A_474 = arith.constant true
      %broadcast_in_dim3A_475 = vector.broadcast %broadcast_in_dim3A_474 : i1 to vector<16xi1>
      %masked_cummax3A_476 = arith.constant -2147483648 : i32
      %masked_cummax3A_477 = vector.broadcast %masked_cummax3A_476 : i32 to vector<16xi32>
      %masked_cummax3A_478 = arith.xori %get3A_473, %masked_cummax3A_477 : vector<16xi32>
      %masked_cummax3A_479 = tpu.scan <max>, %masked_cummax3A_478 masked %broadcast_in_dim3A_475 : vector<16xi32>, vector<16xi1> -> vector<16xi32>
      %masked_cummax3A_480 = arith.xori %masked_cummax3A_479, %masked_cummax3A_477 : vector<16xi32>
      %max3A_481 = vector.broadcast %squeeze3A_471 : i32 to vector<16xi32>
      %max3A_482 = arith.maxsi %masked_cummax3A_480, %max3A_481 : vector<16xi32>
      %sub3A_483 = arith.constant 1 : i32
      %sub3A_484 = vector.broadcast %sub3A_483 : i32 to vector<16xi32>
      %sub3A_485 = arith.subi %max3A_482, %sub3A_484 : vector<16xi32>
      %swap3A_486 = arith.constant 64 : index
      %swap3A_487 = tpu.vector_load %arg13[%swap3A_486] {strides = array<i32>} : memref<96xi32, #tpu.memory_space<vmem>>, vector<16xi32>,
      tpu.vector_store %arg13[%swap3A_486], %sub3A_485 {strides = array<i32>} : memref<96xi32, #tpu.memory_space<vmem>>, vector<16xi32>,
      %add3A_488 = arith.constant 64 : i32
      %add3A_489 = vector.broadcast %add3A_488 : i32 to vector<16xi32>
      %add3A_490 = arith.addi %iota3A, %add3A_489 : vector<16xi32>
      %lt3A_491 = vector.broadcast %squeeze3A_368 : i32 to vector<16xi32>
      %lt3A_492 = arith.cmpi slt, %add3A_490, %lt3A_491 : vector<16xi32>
      %convert_element_type3A_493 = arith.extui %lt3A_492 : vector<16xi1> to vector<16xi32>
      %swap3A_494 = arith.constant 64 : index
      %swap3A_495 = tpu.vector_load %arg14[%swap3A_494] {strides = array<i32>} : memref<96xi32, #tpu.memory_space<vmem>>, vector<16xi32>,
      tpu.vector_store %arg14[%swap3A_494], %convert_element_type3A_493 {strides = array<i32>} : memref<96xi32, #tpu.memory_space<vmem>>, vector<16xi32>,
      %slice3A_496 = vector.extract_strided_slice %max3A_482 {offsets = [15], sizes = [1], strides = [1]} : vector<16xi32> to vector<1xi32>
      %squeeze3A_497 = vector.extract %slice3A_496[0] : i32 from vector<1xi32>
      %get3A_498 = arith.constant 80 : index
      %get3A_499 = tpu.vector_load %arg12[%get3A_498] {strides = array<i32>} : memref<96xi32, #tpu.memory_space<vmem>>, vector<16xi32>,
      %broadcast_in_dim3A_500 = arith.constant true
      %broadcast_in_dim3A_501 = vector.broadcast %broadcast_in_dim3A_500 : i1 to vector<16xi1>
      %masked_cummax3A_502 = arith.constant -2147483648 : i32
      %masked_cummax3A_503 = vector.broadcast %masked_cummax3A_502 : i32 to vector<16xi32>
      %masked_cummax3A_504 = arith.xori %get3A_499, %masked_cummax3A_503 : vector<16xi32>
      %masked_cummax3A_505 = tpu.scan <max>, %masked_cummax3A_504 masked %broadcast_in_dim3A_501 : vector<16xi32>, vector<16xi1> -> vector<16xi32>
      %masked_cummax3A_506 = arith.xori %masked_cummax3A_505, %masked_cummax3A_503 : vector<16xi32>
      %max3A_507 = vector.broadcast %squeeze3A_497 : i32 to vector<16xi32>
      %max3A_508 = arith.maxsi %masked_cummax3A_506, %max3A_507 : vector<16xi32>
      %sub3A_509 = arith.constant 1 : i32
      %sub3A_510 = vector.broadcast %sub3A_509 : i32 to vector<16xi32>
      %sub3A_511 = arith.subi %max3A_508, %sub3A_510 : vector<16xi32>
      %swap3A_512 = arith.constant 80 : index
      %swap3A_513 = tpu.vector_load %arg13[%swap3A_512] {strides = array<i32>} : memref<96xi32, #tpu.memory_space<vmem>>, vector<16xi32>,
      tpu.vector_store %arg13[%swap3A_512], %sub3A_511 {strides = array<i32>} : memref<96xi32, #tpu.memory_space<vmem>>, vector<16xi32>,
      %add3A_514 = arith.constant 80 : i32
      %add3A_515 = vector.broadcast %add3A_514 : i32 to vector<16xi32>
      %add3A_516 = arith.addi %iota3A, %add3A_515 : vector<16xi32>
      %lt3A_517 = vector.broadcast %squeeze3A_368 : i32 to vector<16xi32>
      %lt3A_518 = arith.cmpi slt, %add3A_516, %lt3A_517 : vector<16xi32>
      %convert_element_type3A_519 = arith.extui %lt3A_518 : vector<16xi1> to vector<16xi32>
      %swap3A_520 = arith.constant 80 : index
      %swap3A_521 = tpu.vector_load %arg14[%swap3A_520] {strides = array<i32>} : memref<96xi32, #tpu.memory_space<vmem>>, vector<16xi32>,
      tpu.vector_store %arg14[%swap3A_520], %convert_element_type3A_519 {strides = array<i32>} : memref<96xi32, #tpu.memory_space<vmem>>, vector<16xi32>,
      %slice3A_522 = vector.extract_strided_slice %max3A_508 {offsets = [15], sizes = [1], strides = [1]} : vector<16xi32> to vector<1xi32>
      %squeeze3A_523 = vector.extract %slice3A_522[0] : i32 from vector<1xi32>
      %scan3A_524 = arith.constant 0 : i32
      %scan3A_525 = arith.constant 0 : i32
      %scan3A_526 = arith.constant 128 : i32
      %scan3A_527 = arith.addi %scan3A_525, %scan3A_526 : i32
      %scan3A_528 = arith.constant 1 : i32
      scf.for %scan3A_546 = %scan3A_525 to %scan3A_527 step %scan3A_528  : i32 {
        %mul3A_547 = arith.constant 16 : i32
        %mul3A_548 = arith.muli %scan3A_546, %mul3A_547 : i32
        %get3A_549 = arith.index_cast %mul3A_548 : i32 to index
        %get3A_550 = tpu.vector_load %arg8[%get3A_549] {strides = array<i32>} : memref<2048xi32, #tpu.memory_space<vmem>>, vector<16xi32>,
        %gather3A = tpu.vector_load_idx %arg10[%get3A_550] : memref<64xi32, #tpu.memory_space<vmem>>[vector<16xi32>], vector<16xi32>,
        %broadcast_in_dim3A_551 = arith.constant true
        %broadcast_in_dim3A_552 = vector.broadcast %broadcast_in_dim3A_551 : i1 to vector<16xi1>
        %unique3A, %unique3A_553 = tpu.scan_count mask(%broadcast_in_dim3A_552 : vector<16xi1>) value(%get3A_550 : vector<16xi32>) : vector<16xi1>, vector<16xi32>
        %add3A_554 = arith.addi %gather3A, %unique3A_553 : vector<16xi32>
        tpu.vector_store_idx %arg10[%get3A_550], %add3A_554 masked %unique3A : memref<64xi32, #tpu.memory_space<vmem>>[vector<16xi32>], vector<16xi32>, vector<16xi1>
        %gather3A_555 = tpu.vector_load_idx %arg11[%get3A_550] : memref<64xi32, #tpu.memory_space<vmem>>[vector<16xi32>], vector<16xi32>,
        %add3A_556 = arith.addi %gather3A_555, %gather3A : vector<16xi32>
        %add3A_557 = arith.addi %add3A_556, %unique3A_553 : vector<16xi32>
        %sub3A_558 = arith.constant 1 : i32
        %sub3A_559 = vector.broadcast %sub3A_558 : i32 to vector<16xi32>
        %sub3A_560 = arith.subi %add3A_557, %sub3A_559 : vector<16xi32>
        %mul3A_561 = arith.constant 16 : i32
        %mul3A_562 = arith.muli %scan3A_546, %mul3A_561 : i32
        %swap3A_563 = arith.index_cast %mul3A_562 : i32 to index
        %swap3A_564 = tpu.vector_load %arg15[%swap3A_563] {strides = array<i32>} : memref<2048xi32, #tpu.memory_space<vmem>>, vector<16xi32>,
        tpu.vector_store %arg15[%swap3A_563], %sub3A_560 {strides = array<i32>} : memref<2048xi32, #tpu.memory_space<vmem>>, vector<16xi32>,
        %mul3A_565 = arith.constant 16 : i32
        %mul3A_566 = arith.muli %scan3A_546, %mul3A_565 : i32
        %add3A_567 = vector.broadcast %mul3A_566 : i32 to vector<16xi32>
        %add3A_568 = arith.addi %iota3A, %add3A_567 : vector<16xi32>
        tpu.vector_store_idx %arg16[%sub3A_560], %add3A_568 : memref<6144xi32, #tpu.memory_space<vmem>>[vector<16xi32>], vector<16xi32>,
      }
      %scan3A_529 = arith.constant 128 : i32
      %eq3A_530 = arith.constant 0 : i32
      %eq3A_531 = vector.broadcast %eq3A_530 : i32 to vector<16xi32>
      %eq3A_532 = arith.cmpi eq, %iota3A, %eq3A_531 : vector<16xi32>
      %mul3A_533 = arith.constant 64 : i32
      %mul3A_534 = arith.muli %squeeze3A_368, %mul3A_533 : i32
      %jit3A_535 = arith.constant 0 : i32
      %broadcast_in_dim3A_536 = vector.broadcast %mul3A_534 : i32 to vector<16xi32>
      %broadcast_in_dim3A_537 = vector.broadcast %jit3A_535 : i32 to vector<16xi32>
      %select_n3A_538 = arith.select %eq3A_532, %broadcast_in_dim3A_536, %broadcast_in_dim3A_537 : vector<16xi1>, vector<16xi32>
      %swap3A_539 = arith.constant 0 : index
      %swap3A_540 = tpu.vector_load %arg17[%swap3A_539] {strides = array<i32>} : memref<16xi32, #tpu.memory_space<vmem>>, vector<16xi32>,
      tpu.vector_store %arg17[%swap3A_539], %select_n3A_538 {strides = array<i32>} : memref<16xi32, #tpu.memory_space<vmem>>, vector<16xi32>,
      "tpu.region"() ({
        %run_scoped3A = tpu.sem_alloc : memref<!tpu.dma_semaphore, #tpu.memory_space<semaphore_mem>>
        tpu.enqueue_dma source(%arg16 : memref<6144xi32, #tpu.memory_space<vmem>>) target(%arg21 : memref<6144xi32, #tpu.memory_space<vmem_shared>>) target_semaphore(%run_scoped3A : memref<!tpu.dma_semaphore, #tpu.memory_space<semaphore_mem>>)
        tpu.wait_dma2 semaphore(%run_scoped3A : memref<!tpu.dma_semaphore, #tpu.memory_space<semaphore_mem>>) src(%arg16 : memref<6144xi32, #tpu.memory_space<vmem>>) dst(%arg21 : memref<6144xi32, #tpu.memory_space<vmem_shared>>)
        tpu.yield
      }) : () -> ()
      "tpu.region"() ({
        %run_scoped3A = tpu.sem_alloc : memref<!tpu.dma_semaphore, #tpu.memory_space<semaphore_mem>>
        tpu.enqueue_dma source(%arg17 : memref<16xi32, #tpu.memory_space<vmem>>) target(%arg22 : memref<16xi32, #tpu.memory_space<vmem_shared>>) target_semaphore(%run_scoped3A : memref<!tpu.dma_semaphore, #tpu.memory_space<semaphore_mem>>)
        tpu.wait_dma2 semaphore(%run_scoped3A : memref<!tpu.dma_semaphore, #tpu.memory_space<semaphore_mem>>) src(%arg17 : memref<16xi32, #tpu.memory_space<vmem>>) dst(%arg22 : memref<16xi32, #tpu.memory_space<vmem_shared>>)
        tpu.yield
      }) : () -> ()
      %eq3A_541 = arith.constant 0 : i32
      %eq3A_542 = arith.cmpi eq, %arg0, %eq3A_541 : i32
      %convert_element_type3A_543 = arith.extui %eq3A_542 : i1 to i32
      %cond3A_544 = arith.constant 0 : i32
      %cond3A_545 = arith.cmpi ne, %convert_element_type3A_543, %cond3A_544 : i32
      scf.if %cond3A_545 {
        "tpu.region"() ({
          %run_scoped3A = tpu.sem_alloc : memref<!tpu.dma_semaphore, #tpu.memory_space<semaphore_mem>>
          tpu.enqueue_dma source(%arg13 : memref<96xi32, #tpu.memory_space<vmem>>) target(%arg5 : memref<96xi32, #tpu.memory_space<hbm>>) target_semaphore(%run_scoped3A : memref<!tpu.dma_semaphore, #tpu.memory_space<semaphore_mem>>)
          tpu.wait_dma2 semaphore(%run_scoped3A : memref<!tpu.dma_semaphore, #tpu.memory_space<semaphore_mem>>) src(%arg13 : memref<96xi32, #tpu.memory_space<vmem>>) dst(%arg5 : memref<96xi32, #tpu.memory_space<hbm>>)
          tpu.yield
        }) : () -> ()
        "tpu.region"() ({
          %run_scoped3A = tpu.sem_alloc : memref<!tpu.dma_semaphore, #tpu.memory_space<semaphore_mem>>
          tpu.enqueue_dma source(%arg14 : memref<96xi32, #tpu.memory_space<vmem>>) target(%arg6 : memref<96xi32, #tpu.memory_space<hbm>>) target_semaphore(%run_scoped3A : memref<!tpu.dma_semaphore, #tpu.memory_space<semaphore_mem>>)
          tpu.wait_dma2 semaphore(%run_scoped3A : memref<!tpu.dma_semaphore, #tpu.memory_space<semaphore_mem>>) src(%arg14 : memref<96xi32, #tpu.memory_space<vmem>>) dst(%arg6 : memref<96xi32, #tpu.memory_space<hbm>>)
          tpu.yield
        }) : () -> ()
        "tpu.region"() ({
          %run_scoped3A = tpu.sem_alloc : memref<!tpu.dma_semaphore, #tpu.memory_space<semaphore_mem>>
          tpu.enqueue_dma source(%arg15 : memref<2048xi32, #tpu.memory_space<vmem>>) target(%arg7 : memref<2048xi32, #tpu.memory_space<hbm>>) target_semaphore(%run_scoped3A : memref<!tpu.dma_semaphore, #tpu.memory_space<semaphore_mem>>)
          tpu.wait_dma2 semaphore(%run_scoped3A : memref<!tpu.dma_semaphore, #tpu.memory_space<semaphore_mem>>) src(%arg15 : memref<2048xi32, #tpu.memory_space<vmem>>) dst(%arg7 : memref<2048xi32, #tpu.memory_space<hbm>>)
          tpu.yield
        }) : () -> ()
      } else {
      }
    } else {
    }
    %barrier3A = arith.constant 0 : index
    tpu.barrier barrier_id(%barrier3A)
    %mul3A = arith.constant 2 : i32
    %mul3A_2 = arith.muli %arg1, %mul3A : i32
    %add3A = arith.addi %mul3A_2, %arg0 : i32
    "tpu.region"() ({
      %run_scoped3A = tpu.sem_alloc : memref<!tpu.dma_semaphore, #tpu.memory_space<semaphore_mem>>
      tpu.enqueue_dma source(%arg22 : memref<16xi32, #tpu.memory_space<vmem_shared>>) target(%arg17 : memref<16xi32, #tpu.memory_space<vmem>>) target_semaphore(%run_scoped3A : memref<!tpu.dma_semaphore, #tpu.memory_space<semaphore_mem>>)
      tpu.wait_dma2 semaphore(%run_scoped3A : memref<!tpu.dma_semaphore, #tpu.memory_space<semaphore_mem>>) src(%arg22 : memref<16xi32, #tpu.memory_space<vmem_shared>>) dst(%arg17 : memref<16xi32, #tpu.memory_space<vmem>>)
      tpu.yield
    }) : () -> ()
    %get3A = arith.constant 0 : index
    %get3A_3 = tpu.vector_load %arg17[%get3A] {strides = array<i32>} : memref<16xi32, #tpu.memory_space<vmem>>, vector<16xi32>,
    %slice3A = vector.extract_strided_slice %get3A_3 {offsets = [0], sizes = [1], strides = [1]} : vector<16xi32> to vector<1xi32>
    %squeeze3A = vector.extract %slice3A[0] : i32 from vector<1xi32>
    %mul3A_4 = arith.constant 192 : i32
    %mul3A_5 = arith.muli %add3A, %mul3A_4 : i32
    "tpu.region"() ({
      %run_scoped3A = tpu.sem_alloc : memref<!tpu.dma_semaphore, #tpu.memory_space<semaphore_mem>>
      %dma_start3A = tpu.memref_slice %arg21[%mul3A_5] : memref<6144xi32, #tpu.memory_space<vmem_shared>> -> memref<192xi32, #tpu.memory_space<vmem_shared>>
      %dma_start3A_118 = tpu.memref_slice %arg21[%mul3A_5] : memref<6144xi32, #tpu.memory_space<vmem_shared>> -> memref<192xi32, #tpu.memory_space<vmem_shared>>
      tpu.enqueue_dma source(%dma_start3A_118 : memref<192xi32, #tpu.memory_space<vmem_shared>>) target(%arg18 : memref<192xi32, #tpu.memory_space<vmem>>) target_semaphore(%run_scoped3A : memref<!tpu.dma_semaphore, #tpu.memory_space<semaphore_mem>>)
      %dma_wait3A = tpu.memref_slice %arg21[%mul3A_5] : memref<6144xi32, #tpu.memory_space<vmem_shared>> -> memref<192xi32, #tpu.memory_space<vmem_shared>>
      %dma_wait3A_119 = tpu.memref_slice %arg21[%mul3A_5] : memref<6144xi32, #tpu.memory_space<vmem_shared>> -> memref<192xi32, #tpu.memory_space<vmem_shared>>
      tpu.wait_dma2 semaphore(%run_scoped3A : memref<!tpu.dma_semaphore, #tpu.memory_space<semaphore_mem>>) src(%dma_wait3A_119 : memref<192xi32, #tpu.memory_space<vmem_shared>>) dst(%arg18 : memref<192xi32, #tpu.memory_space<vmem>>)
      tpu.yield
    }) : () -> ()
    %add3A_6 = arith.constant 0 : i32
    %add3A_7 = arith.addi %mul3A_5, %add3A_6 : i32
    %lt3A = arith.cmpi slt, %add3A_7, %squeeze3A : i32
    %convert_element_type3A_8 = arith.extui %lt3A : i1 to i32
    %cond3A_9 = arith.constant 0 : i32
    %cond3A_10 = arith.cmpi ne, %convert_element_type3A_8, %cond3A_9 : i32
    scf.if %cond3A_10 {
      %dma_start3A = arith.constant 0 : i32
      %dma_start3A_118 = tpu.memref_slice %arg18[%dma_start3A] : memref<192xi32, #tpu.memory_space<vmem>> -> memref<48xi32, #tpu.memory_space<vmem>>
      %dma_start3A_119 = arith.constant 0 : i32
      %dma_start3A_120 = arith.constant 0 : i32
      %dma_start3A_121 = tpu.memref_slice %arg3[%dma_start3A_119, %dma_start3A_120] : memref<2048x1024xf32, #tpu.memory_space<hbm>> -> memref<2048x1024xf32, #tpu.memory_space<hbm>>
      tpu.enqueue_indirect_dma source(%dma_start3A_121 : memref<2048x1024xf32, #tpu.memory_space<hbm>>) target(%arg19 : memref<48x1024xf32, #tpu.memory_space<vmem>>) offsets(%dma_start3A_118 : memref<48xi32, #tpu.memory_space<vmem>>) semaphore(%arg23 : memref<!tpu.dma_semaphore, #tpu.memory_space<semaphore_mem>>)
    } else {
    }
    %add3A_11 = arith.constant 0 : i32
    %add3A_12 = arith.addi %mul3A_5, %add3A_11 : i32
    %lt3A_13 = arith.cmpi slt, %add3A_12, %squeeze3A : i32
    %convert_element_type3A_14 = arith.extui %lt3A_13 : i1 to i32
    %cond3A_15 = arith.constant 0 : i32
    %cond3A_16 = arith.cmpi ne, %convert_element_type3A_14, %cond3A_15 : i32
    scf.if %cond3A_16 {
      %dma_wait3A = arith.constant 0 : i32
      %dma_wait3A_118 = tpu.memref_slice %arg18[%dma_wait3A] : memref<192xi32, #tpu.memory_space<vmem>> -> memref<48xi32, #tpu.memory_space<vmem>>
      %dma_wait3A_119 = arith.constant 0 : i32
      %dma_wait3A_120 = arith.constant 0 : i32
      %dma_wait3A_121 = tpu.memref_slice %arg3[%dma_wait3A_119, %dma_wait3A_120] : memref<2048x1024xf32, #tpu.memory_space<hbm>> -> memref<2048x1024xf32, #tpu.memory_space<hbm>>
      tpu.wait_indirect_dma semaphore(%arg23 : memref<!tpu.dma_semaphore, #tpu.memory_space<semaphore_mem>>) src(%dma_wait3A_121 : memref<2048x1024xf32, #tpu.memory_space<hbm>>) dst(%arg19 : memref<48x1024xf32, #tpu.memory_space<vmem>>)
    } else {
    }
    %add3A_17 = arith.constant 48 : i32
    %add3A_18 = arith.addi %mul3A_5, %add3A_17 : i32
    %lt3A_19 = arith.cmpi slt, %add3A_18, %squeeze3A : i32
    %convert_element_type3A_20 = arith.extui %lt3A_19 : i1 to i32
    %cond3A_21 = arith.constant 0 : i32
    %cond3A_22 = arith.cmpi ne, %convert_element_type3A_20, %cond3A_21 : i32
    scf.if %cond3A_22 {
      %dma_start3A = arith.constant 48 : i32
      %dma_start3A_118 = tpu.memref_slice %arg18[%dma_start3A] : memref<192xi32, #tpu.memory_space<vmem>> -> memref<48xi32, #tpu.memory_space<vmem>>
      %dma_start3A_119 = arith.constant 0 : i32
      %dma_start3A_120 = arith.constant 0 : i32
      %dma_start3A_121 = tpu.memref_slice %arg3[%dma_start3A_119, %dma_start3A_120] : memref<2048x1024xf32, #tpu.memory_space<hbm>> -> memref<2048x1024xf32, #tpu.memory_space<hbm>>
      tpu.enqueue_indirect_dma source(%dma_start3A_121 : memref<2048x1024xf32, #tpu.memory_space<hbm>>) target(%arg20 : memref<48x1024xf32, #tpu.memory_space<vmem>>) offsets(%dma_start3A_118 : memref<48xi32, #tpu.memory_space<vmem>>) semaphore(%arg24 : memref<!tpu.dma_semaphore, #tpu.memory_space<semaphore_mem>>)
    } else {
    }
    %convert_element_type3A_23 = arith.extui %lt3A_13 : i1 to i32
    %cond3A_24 = arith.constant 0 : i32
    %cond3A_25 = arith.cmpi ne, %convert_element_type3A_23, %cond3A_24 : i32
    scf.if %cond3A_25 {
      %add3A_118 = arith.constant 0 : i32
      %add3A_119 = arith.addi %mul3A_5, %add3A_118 : i32
      %dma_start3A = arith.constant 0 : i32
      %dma_start3A_120 = tpu.memref_slice %arg4[%add3A_119, %dma_start3A] : memref<6144x1024xf32, #tpu.memory_space<hbm>> -> memref<48x1024xf32, #tpu.memory_space<hbm>>
      %dma_start3A_121 = arith.constant 0 : i32
      %dma_start3A_122 = tpu.memref_slice %arg4[%add3A_119, %dma_start3A_121] : memref<6144x1024xf32, #tpu.memory_space<hbm>> -> memref<48x1024xf32, #tpu.memory_space<hbm>>
      tpu.enqueue_dma source(%arg19 : memref<48x1024xf32, #tpu.memory_space<vmem>>) target(%dma_start3A_122 : memref<48x1024xf32, #tpu.memory_space<hbm>>) target_semaphore(%arg25 : memref<!tpu.dma_semaphore, #tpu.memory_space<semaphore_mem>>)
    } else {
    }
    %add3A_26 = arith.constant 48 : i32
    %add3A_27 = arith.addi %mul3A_5, %add3A_26 : i32
    %lt3A_28 = arith.cmpi slt, %add3A_27, %squeeze3A : i32
    %convert_element_type3A_29 = arith.extui %lt3A_28 : i1 to i32
    %cond3A_30 = arith.constant 0 : i32
    %cond3A_31 = arith.cmpi ne, %convert_element_type3A_29, %cond3A_30 : i32
    scf.if %cond3A_31 {
      %add3A_118 = arith.constant 0 : i32
      %add3A_119 = arith.addi %mul3A_5, %add3A_118 : i32
      %dma_wait3A = arith.constant 0 : i32
      %dma_wait3A_120 = tpu.memref_slice %arg4[%add3A_119, %dma_wait3A] : memref<6144x1024xf32, #tpu.memory_space<hbm>> -> memref<48x1024xf32, #tpu.memory_space<hbm>>
      %dma_wait3A_121 = arith.constant 0 : i32
      %dma_wait3A_122 = tpu.memref_slice %arg4[%add3A_119, %dma_wait3A_121] : memref<6144x1024xf32, #tpu.memory_space<hbm>> -> memref<48x1024xf32, #tpu.memory_space<hbm>>
      tpu.wait_dma2 semaphore(%arg25 : memref<!tpu.dma_semaphore, #tpu.memory_space<semaphore_mem>>) src(%arg19 : memref<48x1024xf32, #tpu.memory_space<vmem>>) dst(%dma_wait3A_122 : memref<48x1024xf32, #tpu.memory_space<hbm>>)
    } else {
    }
    %convert_element_type3A_32 = arith.extui %lt3A_28 : i1 to i32
    %cond3A_33 = arith.constant 0 : i32
    %cond3A_34 = arith.cmpi ne, %convert_element_type3A_32, %cond3A_33 : i32
    scf.if %cond3A_34 {
      %dma_wait3A = arith.constant 48 : i32
      %dma_wait3A_118 = tpu.memref_slice %arg18[%dma_wait3A] : memref<192xi32, #tpu.memory_space<vmem>> -> memref<48xi32, #tpu.memory_space<vmem>>
      %dma_wait3A_119 = arith.constant 0 : i32
      %dma_wait3A_120 = arith.constant 0 : i32
      %dma_wait3A_121 = tpu.memref_slice %arg3[%dma_wait3A_119, %dma_wait3A_120] : memref<2048x1024xf32, #tpu.memory_space<hbm>> -> memref<2048x1024xf32, #tpu.memory_space<hbm>>
      tpu.wait_indirect_dma semaphore(%arg24 : memref<!tpu.dma_semaphore, #tpu.memory_space<semaphore_mem>>) src(%dma_wait3A_121 : memref<2048x1024xf32, #tpu.memory_space<hbm>>) dst(%arg20 : memref<48x1024xf32, #tpu.memory_space<vmem>>)
    } else {
    }
    %add3A_35 = arith.constant 96 : i32
    %add3A_36 = arith.addi %mul3A_5, %add3A_35 : i32
    %lt3A_37 = arith.cmpi slt, %add3A_36, %squeeze3A : i32
    %convert_element_type3A_38 = arith.extui %lt3A_37 : i1 to i32
    %cond3A_39 = arith.constant 0 : i32
    %cond3A_40 = arith.cmpi ne, %convert_element_type3A_38, %cond3A_39 : i32
    scf.if %cond3A_40 {
      %dma_start3A = arith.constant 96 : i32
      %dma_start3A_118 = tpu.memref_slice %arg18[%dma_start3A] : memref<192xi32, #tpu.memory_space<vmem>> -> memref<48xi32, #tpu.memory_space<vmem>>
      %dma_start3A_119 = arith.constant 0 : i32
      %dma_start3A_120 = arith.constant 0 : i32
      %dma_start3A_121 = tpu.memref_slice %arg3[%dma_start3A_119, %dma_start3A_120] : memref<2048x1024xf32, #tpu.memory_space<hbm>> -> memref<2048x1024xf32, #tpu.memory_space<hbm>>
      tpu.enqueue_indirect_dma source(%dma_start3A_121 : memref<2048x1024xf32, #tpu.memory_space<hbm>>) target(%arg19 : memref<48x1024xf32, #tpu.memory_space<vmem>>) offsets(%dma_start3A_118 : memref<48xi32, #tpu.memory_space<vmem>>) semaphore(%arg23 : memref<!tpu.dma_semaphore, #tpu.memory_space<semaphore_mem>>)
    } else {
    }
    %convert_element_type3A_41 = arith.extui %lt3A_28 : i1 to i32
    %cond3A_42 = arith.constant 0 : i32
    %cond3A_43 = arith.cmpi ne, %convert_element_type3A_41, %cond3A_42 : i32
    scf.if %cond3A_43 {
      %add3A_118 = arith.constant 48 : i32
      %add3A_119 = arith.addi %mul3A_5, %add3A_118 : i32
      %dma_start3A = arith.constant 0 : i32
      %dma_start3A_120 = tpu.memref_slice %arg4[%add3A_119, %dma_start3A] : memref<6144x1024xf32, #tpu.memory_space<hbm>> -> memref<48x1024xf32, #tpu.memory_space<hbm>>
      %dma_start3A_121 = arith.constant 0 : i32
      %dma_start3A_122 = tpu.memref_slice %arg4[%add3A_119, %dma_start3A_121] : memref<6144x1024xf32, #tpu.memory_space<hbm>> -> memref<48x1024xf32, #tpu.memory_space<hbm>>
      tpu.enqueue_dma source(%arg20 : memref<48x1024xf32, #tpu.memory_space<vmem>>) target(%dma_start3A_122 : memref<48x1024xf32, #tpu.memory_space<hbm>>) target_semaphore(%arg26 : memref<!tpu.dma_semaphore, #tpu.memory_space<semaphore_mem>>)
    } else {
    }
    %add3A_44 = arith.constant 96 : i32
    %add3A_45 = arith.addi %mul3A_5, %add3A_44 : i32
    %lt3A_46 = arith.cmpi slt, %add3A_45, %squeeze3A : i32
    %convert_element_type3A_47 = arith.extui %lt3A_46 : i1 to i32
    %cond3A_48 = arith.constant 0 : i32
    %cond3A_49 = arith.cmpi ne, %convert_element_type3A_47, %cond3A_48 : i32
    scf.if %cond3A_49 {
      %add3A_118 = arith.constant 48 : i32
      %add3A_119 = arith.addi %mul3A_5, %add3A_118 : i32
      %dma_wait3A = arith.constant 0 : i32
      %dma_wait3A_120 = tpu.memref_slice %arg4[%add3A_119, %dma_wait3A] : memref<6144x1024xf32, #tpu.memory_space<hbm>> -> memref<48x1024xf32, #tpu.memory_space<hbm>>
      %dma_wait3A_121 = arith.constant 0 : i32
      %dma_wait3A_122 = tpu.memref_slice %arg4[%add3A_119, %dma_wait3A_121] : memref<6144x1024xf32, #tpu.memory_space<hbm>> -> memref<48x1024xf32, #tpu.memory_space<hbm>>
      tpu.wait_dma2 semaphore(%arg26 : memref<!tpu.dma_semaphore, #tpu.memory_space<semaphore_mem>>) src(%arg20 : memref<48x1024xf32, #tpu.memory_space<vmem>>) dst(%dma_wait3A_122 : memref<48x1024xf32, #tpu.memory_space<hbm>>)
    } else {
    }
    %convert_element_type3A_50 = arith.extui %lt3A_46 : i1 to i32
    %cond3A_51 = arith.constant 0 : i32
    %cond3A_52 = arith.cmpi ne, %convert_element_type3A_50, %cond3A_51 : i32
    scf.if %cond3A_52 {
      %dma_wait3A = arith.constant 96 : i32
      %dma_wait3A_118 = tpu.memref_slice %arg18[%dma_wait3A] : memref<192xi32, #tpu.memory_space<vmem>> -> memref<48xi32, #tpu.memory_space<vmem>>
      %dma_wait3A_119 = arith.constant 0 : i32
      %dma_wait3A_120 = arith.constant 0 : i32
      %dma_wait3A_121 = tpu.memref_slice %arg3[%dma_wait3A_119, %dma_wait3A_120] : memref<2048x1024xf32, #tpu.memory_space<hbm>> -> memref<2048x1024xf32, #tpu.memory_space<hbm>>
      tpu.wait_indirect_dma semaphore(%arg23 : memref<!tpu.dma_semaphore, #tpu.memory_space<semaphore_mem>>) src(%dma_wait3A_121 : memref<2048x1024xf32, #tpu.memory_space<hbm>>) dst(%arg19 : memref<48x1024xf32, #tpu.memory_space<vmem>>)
    } else {
    }
    %add3A_53 = arith.constant 144 : i32
    %add3A_54 = arith.addi %mul3A_5, %add3A_53 : i32
    %lt3A_55 = arith.cmpi slt, %add3A_54, %squeeze3A : i32
    %convert_element_type3A_56 = arith.extui %lt3A_55 : i1 to i32
    %cond3A_57 = arith.constant 0 : i32
    %cond3A_58 = arith.cmpi ne, %convert_element_type3A_56, %cond3A_57 : i32
    scf.if %cond3A_58 {
      %dma_start3A = arith.constant 144 : i32
      %dma_start3A_118 = tpu.memref_slice %arg18[%dma_start3A] : memref<192xi32, #tpu.memory_space<vmem>> -> memref<48xi32, #tpu.memory_space<vmem>>
      %dma_start3A_119 = arith.constant 0 : i32
      %dma_start3A_120 = arith.constant 0 : i32
      %dma_start3A_121 = tpu.memref_slice %arg3[%dma_start3A_119, %dma_start3A_120] : memref<2048x1024xf32, #tpu.memory_space<hbm>> -> memref<2048x1024xf32, #tpu.memory_space<hbm>>
      tpu.enqueue_indirect_dma source(%dma_start3A_121 : memref<2048x1024xf32, #tpu.memory_space<hbm>>) target(%arg20 : memref<48x1024xf32, #tpu.memory_space<vmem>>) offsets(%dma_start3A_118 : memref<48xi32, #tpu.memory_space<vmem>>) semaphore(%arg24 : memref<!tpu.dma_semaphore, #tpu.memory_space<semaphore_mem>>)
    } else {
    }
    %convert_element_type3A_59 = arith.extui %lt3A_46 : i1 to i32
    %cond3A_60 = arith.constant 0 : i32
    %cond3A_61 = arith.cmpi ne, %convert_element_type3A_59, %cond3A_60 : i32
    scf.if %cond3A_61 {
      %add3A_118 = arith.constant 96 : i32
      %add3A_119 = arith.addi %mul3A_5, %add3A_118 : i32
      %dma_start3A = arith.constant 0 : i32
      %dma_start3A_120 = tpu.memref_slice %arg4[%add3A_119, %dma_start3A] : memref<6144x1024xf32, #tpu.memory_space<hbm>> -> memref<48x1024xf32, #tpu.memory_space<hbm>>
      %dma_start3A_121 = arith.constant 0 : i32
      %dma_start3A_122 = tpu.memref_slice %arg4[%add3A_119, %dma_start3A_121] : memref<6144x1024xf32, #tpu.memory_space<hbm>> -> memref<48x1024xf32, #tpu.memory_space<hbm>>
      tpu.enqueue_dma source(%arg19 : memref<48x1024xf32, #tpu.memory_space<vmem>>) target(%dma_start3A_122 : memref<48x1024xf32, #tpu.memory_space<hbm>>) target_semaphore(%arg25 : memref<!tpu.dma_semaphore, #tpu.memory_space<semaphore_mem>>)
    } else {
    }
    %add3A_62 = arith.constant 144 : i32
    %add3A_63 = arith.addi %mul3A_5, %add3A_62 : i32
    %lt3A_64 = arith.cmpi slt, %add3A_63, %squeeze3A : i32
    %convert_element_type3A_65 = arith.extui %lt3A_64 : i1 to i32
    %cond3A_66 = arith.constant 0 : i32
    %cond3A_67 = arith.cmpi ne, %convert_element_type3A_65, %cond3A_66 : i32
    scf.if %cond3A_67 {
      %add3A_118 = arith.constant 96 : i32
      %add3A_119 = arith.addi %mul3A_5, %add3A_118 : i32
      %dma_wait3A = arith.constant 0 : i32
      %dma_wait3A_120 = tpu.memref_slice %arg4[%add3A_119, %dma_wait3A] : memref<6144x1024xf32, #tpu.memory_space<hbm>> -> memref<48x1024xf32, #tpu.memory_space<hbm>>
      %dma_wait3A_121 = arith.constant 0 : i32
      %dma_wait3A_122 = tpu.memref_slice %arg4[%add3A_119, %dma_wait3A_121] : memref<6144x1024xf32, #tpu.memory_space<hbm>> -> memref<48x1024xf32, #tpu.memory_space<hbm>>
      tpu.wait_dma2 semaphore(%arg25 : memref<!tpu.dma_semaphore, #tpu.memory_space<semaphore_mem>>) src(%arg19 : memref<48x1024xf32, #tpu.memory_space<vmem>>) dst(%dma_wait3A_122 : memref<48x1024xf32, #tpu.memory_space<hbm>>)
    } else {
    }
    %convert_element_type3A_68 = arith.extui %lt3A_64 : i1 to i32
    %cond3A_69 = arith.constant 0 : i32
    %cond3A_70 = arith.cmpi ne, %convert_element_type3A_68, %cond3A_69 : i32
    scf.if %cond3A_70 {
      %dma_wait3A = arith.constant 144 : i32
      %dma_wait3A_118 = tpu.memref_slice %arg18[%dma_wait3A] : memref<192xi32, #tpu.memory_space<vmem>> -> memref<48xi32, #tpu.memory_space<vmem>>
      %dma_wait3A_119 = arith.constant 0 : i32
      %dma_wait3A_120 = arith.constant 0 : i32
      %dma_wait3A_121 = tpu.memref_slice %arg3[%dma_wait3A_119, %dma_wait3A_120] : memref<2048x1024xf32, #tpu.memory_space<hbm>> -> memref<2048x1024xf32, #tpu.memory_space<hbm>>
      tpu.wait_indirect_dma semaphore(%arg24 : memref<!tpu.dma_semaphore, #tpu.memory_space<semaphore_mem>>) src(%dma_wait3A_121 : memref<2048x1024xf32, #tpu.memory_space<hbm>>) dst(%arg20 : memref<48x1024xf32, #tpu.memory_space<vmem>>)
    } else {
    }
    %convert_element_type3A_71 = arith.extui %lt3A_64 : i1 to i32
    %cond3A_72 = arith.constant 0 : i32
    %cond3A_73 = arith.cmpi ne, %convert_element_type3A_71, %cond3A_72 : i32
    scf.if %cond3A_73 {
      %add3A_118 = arith.constant 144 : i32
      %add3A_119 = arith.addi %mul3A_5, %add3A_118 : i32
      %dma_start3A = arith.constant 0 : i32
      %dma_start3A_120 = tpu.memref_slice %arg4[%add3A_119, %dma_start3A] : memref<6144x1024xf32, #tpu.memory_space<hbm>> -> memref<48x1024xf32, #tpu.memory_space<hbm>>
      %dma_start3A_121 = arith.constant 0 : i32
      %dma_start3A_122 = tpu.memref_slice %arg4[%add3A_119, %dma_start3A_121] : memref<6144x1024xf32, #tpu.memory_space<hbm>> -> memref<48x1024xf32, #tpu.memory_space<hbm>>
      tpu.enqueue_dma source(%arg20 : memref<48x1024xf32, #tpu.memory_space<vmem>>) target(%dma_start3A_122 : memref<48x1024xf32, #tpu.memory_space<hbm>>) target_semaphore(%arg26 : memref<!tpu.dma_semaphore, #tpu.memory_space<semaphore_mem>>)
    } else {
    }
    %add3A_74 = arith.constant 48 : i32
    %add3A_75 = arith.addi %mul3A_5, %add3A_74 : i32
    %lt3A_76 = arith.cmpi slt, %add3A_75, %squeeze3A : i32
    %add3A_77 = arith.constant 0 : i32
    %add3A_78 = arith.addi %mul3A_5, %add3A_77 : i32
    %lt3A_79 = arith.cmpi slt, %add3A_78, %squeeze3A : i32
    %not3A = arith.constant true
    %not3A_80 = arith.xori %lt3A_76, %not3A : i1
    %and3A = arith.andi %lt3A_79, %not3A_80 : i1
    %convert_element_type3A_81 = arith.extui %and3A : i1 to i32
    %cond3A_82 = arith.constant 0 : i32
    %cond3A_83 = arith.cmpi ne, %convert_element_type3A_81, %cond3A_82 : i32
    scf.if %cond3A_83 {
      %add3A_118 = arith.constant 0 : i32
      %add3A_119 = arith.addi %mul3A_5, %add3A_118 : i32
      %dma_wait3A = arith.constant 0 : i32
      %dma_wait3A_120 = tpu.memref_slice %arg4[%add3A_119, %dma_wait3A] : memref<6144x1024xf32, #tpu.memory_space<hbm>> -> memref<48x1024xf32, #tpu.memory_space<hbm>>
      %dma_wait3A_121 = arith.constant 0 : i32
      %dma_wait3A_122 = tpu.memref_slice %arg4[%add3A_119, %dma_wait3A_121] : memref<6144x1024xf32, #tpu.memory_space<hbm>> -> memref<48x1024xf32, #tpu.memory_space<hbm>>
      tpu.wait_dma2 semaphore(%arg25 : memref<!tpu.dma_semaphore, #tpu.memory_space<semaphore_mem>>) src(%arg19 : memref<48x1024xf32, #tpu.memory_space<vmem>>) dst(%dma_wait3A_122 : memref<48x1024xf32, #tpu.memory_space<hbm>>)
    } else {
    }
    %add3A_84 = arith.constant 96 : i32
    %add3A_85 = arith.addi %mul3A_5, %add3A_84 : i32
    %lt3A_86 = arith.cmpi slt, %add3A_85, %squeeze3A : i32
    %add3A_87 = arith.constant 48 : i32
    %add3A_88 = arith.addi %mul3A_5, %add3A_87 : i32
    %lt3A_89 = arith.cmpi slt, %add3A_88, %squeeze3A : i32
    %not3A_90 = arith.constant true
    %not3A_91 = arith.xori %lt3A_86, %not3A_90 : i1
    %and3A_92 = arith.andi %lt3A_89, %not3A_91 : i1
    %convert_element_type3A_93 = arith.extui %and3A_92 : i1 to i32
    %cond3A_94 = arith.constant 0 : i32
    %cond3A_95 = arith.cmpi ne, %convert_element_type3A_93, %cond3A_94 : i32
    scf.if %cond3A_95 {
      %add3A_118 = arith.constant 48 : i32
      %add3A_119 = arith.addi %mul3A_5, %add3A_118 : i32
      %dma_wait3A = arith.constant 0 : i32
      %dma_wait3A_120 = tpu.memref_slice %arg4[%add3A_119, %dma_wait3A] : memref<6144x1024xf32, #tpu.memory_space<hbm>> -> memref<48x1024xf32, #tpu.memory_space<hbm>>
      %dma_wait3A_121 = arith.constant 0 : i32
      %dma_wait3A_122 = tpu.memref_slice %arg4[%add3A_119, %dma_wait3A_121] : memref<6144x1024xf32, #tpu.memory_space<hbm>> -> memref<48x1024xf32, #tpu.memory_space<hbm>>
      tpu.wait_dma2 semaphore(%arg26 : memref<!tpu.dma_semaphore, #tpu.memory_space<semaphore_mem>>) src(%arg20 : memref<48x1024xf32, #tpu.memory_space<vmem>>) dst(%dma_wait3A_122 : memref<48x1024xf32, #tpu.memory_space<hbm>>)
    } else {
    }
    %add3A_96 = arith.constant 144 : i32
    %add3A_97 = arith.addi %mul3A_5, %add3A_96 : i32
    %lt3A_98 = arith.cmpi slt, %add3A_97, %squeeze3A : i32
    %add3A_99 = arith.constant 96 : i32
    %add3A_100 = arith.addi %mul3A_5, %add3A_99 : i32
    %lt3A_101 = arith.cmpi slt, %add3A_100, %squeeze3A : i32
    %not3A_102 = arith.constant true
    %not3A_103 = arith.xori %lt3A_98, %not3A_102 : i1
    %and3A_104 = arith.andi %lt3A_101, %not3A_103 : i1
    %convert_element_type3A_105 = arith.extui %and3A_104 : i1 to i32
    %cond3A_106 = arith.constant 0 : i32
    %cond3A_107 = arith.cmpi ne, %convert_element_type3A_105, %cond3A_106 : i32
    scf.if %cond3A_107 {
      %add3A_118 = arith.constant 96 : i32
      %add3A_119 = arith.addi %mul3A_5, %add3A_118 : i32
      %dma_wait3A = arith.constant 0 : i32
      %dma_wait3A_120 = tpu.memref_slice %arg4[%add3A_119, %dma_wait3A] : memref<6144x1024xf32, #tpu.memory_space<hbm>> -> memref<48x1024xf32, #tpu.memory_space<hbm>>
      %dma_wait3A_121 = arith.constant 0 : i32
      %dma_wait3A_122 = tpu.memref_slice %arg4[%add3A_119, %dma_wait3A_121] : memref<6144x1024xf32, #tpu.memory_space<hbm>> -> memref<48x1024xf32, #tpu.memory_space<hbm>>
      tpu.wait_dma2 semaphore(%arg25 : memref<!tpu.dma_semaphore, #tpu.memory_space<semaphore_mem>>) src(%arg19 : memref<48x1024xf32, #tpu.memory_space<vmem>>) dst(%dma_wait3A_122 : memref<48x1024xf32, #tpu.memory_space<hbm>>)
    } else {
    }
    %add3A_108 = arith.constant 144 : i32
    %add3A_109 = arith.addi %mul3A_5, %add3A_108 : i32
    %lt3A_110 = arith.cmpi slt, %add3A_109, %squeeze3A : i32
    %not3A_111 = arith.constant false
    %not3A_112 = arith.constant true
    %not3A_113 = arith.xori %not3A_111, %not3A_112 : i1
    %and3A_114 = arith.andi %lt3A_110, %not3A_113 : i1
    %convert_element_type3A_115 = arith.extui %and3A_114 : i1 to i32
    %cond3A_116 = arith.constant 0 : i32
    %cond3A_117 = arith.cmpi ne, %convert_element_type3A_115, %cond3A_116 : i32
    scf.if %cond3A_117 {
      %add3A_118 = arith.constant 144 : i32
      %add3A_119 = arith.addi %mul3A_5, %add3A_118 : i32
      %dma_wait3A = arith.constant 0 : i32
      %dma_wait3A_120 = tpu.memref_slice %arg4[%add3A_119, %dma_wait3A] : memref<6144x1024xf32, #tpu.memory_space<hbm>> -> memref<48x1024xf32, #tpu.memory_space<hbm>>
      %dma_wait3A_121 = arith.constant 0 : i32
      %dma_wait3A_122 = tpu.memref_slice %arg4[%add3A_119, %dma_wait3A_121] : memref<6144x1024xf32, #tpu.memory_space<hbm>> -> memref<48x1024xf32, #tpu.memory_space<hbm>>
      tpu.wait_dma2 semaphore(%arg26 : memref<!tpu.dma_semaphore, #tpu.memory_space<semaphore_mem>>) src(%arg20 : memref<48x1024xf32, #tpu.memory_space<vmem>>) dst(%dma_wait3A_122 : memref<48x1024xf32, #tpu.memory_space<hbm>>)
    } else {
    }
    return
  }
}

module attributes {stable_mosaic.version = 14 : i64} {
  func.func @_router_body(%arg0: i32, %arg1: memref<256x1024xf32, #tpu.memory_space<vmem>>, %arg2: memref<64x1024xf32, #tpu.memory_space<vmem>>, %arg3: memref<256x1xi32, #tpu.memory_space<vmem>>) attributes {dimension_semantics = [#tpu.dimension_semantics<arbitrary>], iteration_bounds = array<i64: 8>, scalar_prefetch = 0 : i64, scratch_operands = 0 : i64, tpu.core_type = #tpu.core_type<tc>, window_params = [{transform_indices = @transform_0, window_bounds = array<i64: 256, 1024>}, {pipeline_mode = #tpu.pipeline_mode<synchronous>, transform_indices = @transform_1, window_bounds = array<i64: 64, 1024>}, {transform_indices = @transform_2, window_bounds = array<i64: 256, 1>}]} {
    %get3A = arith.constant 0 : index
    %get3A_0 = arith.constant 0 : index
    %get3A_1 = vector.load %arg1[%get3A, %get3A_0] : memref<256x1024xf32, #tpu.memory_space<vmem>>, vector<256x1024xf32>
    %get3A_2 = arith.constant 0 : index
    %get3A_3 = arith.constant 0 : index
    %get3A_4 = vector.load %arg2[%get3A_2, %get3A_3] : memref<64x1024xf32, #tpu.memory_space<vmem>>, vector<64x1024xf32>
    %dot_general3A = arith.constant dense<0.000000e+00> : vector<256x64xf32>
    %dot_general3A_5 = tpu.matmul %get3A_1, %get3A_4, %dot_general3A {dimension_numbers = #tpu.dot_dimension_numbers<[1], [1], [0], [0], [0, 0, 1, 0], [], []>, transpose_lhs_hint = false} : vector<256x1024xf32>, vector<64x1024xf32>, vector<256x64xf32> -> vector<256x64xf32>
    %logistic3A = arith.negf %dot_general3A_5 : vector<256x64xf32>
    %logistic3A_6 = math.exp %logistic3A : vector<256x64xf32>
    %logistic3A_7 = arith.constant 1.000000e+00 : f32
    %logistic3A_8 = vector.broadcast %logistic3A_7 : f32 to vector<256x64xf32>
    %logistic3A_9 = arith.addf %logistic3A_8, %logistic3A_6 : vector<256x64xf32>
    %logistic3A_10 = arith.divf %logistic3A_8, %logistic3A_9 : vector<256x64xf32>
    %reduce_max3A = arith.constant dense<0xFF800000> : vector<256xf32>
    %reduce_max3A_11 = vector.multi_reduction <maximumf>, %logistic3A_10, %reduce_max3A [1] : vector<256x64xf32> to vector<256xf32>
    %broadcast_in_dim3A = vector.shape_cast %reduce_max3A_11 : vector<256xf32> to vector<256x1xf32>
    %iota3A = tpu.iota {dimensions = array<i32: 1>} : vector<256x64xi32>
    %eq3A = vector.broadcast %broadcast_in_dim3A : vector<256x1xf32> to vector<256x64xf32>
    %eq3A_12 = arith.cmpf oeq, %logistic3A_10, %eq3A : vector<256x64xf32>
    %jit3A = arith.constant 64 : i32
    %broadcast_in_dim3A_13 = vector.broadcast %jit3A : i32 to vector<256x64xi32>
    %select_n3A = arith.select %eq3A_12, %iota3A, %broadcast_in_dim3A_13 : vector<256x64xi1>, vector<256x64xi32>
    %reduce_min3A = arith.constant dense<2147483647> : vector<256xi32>
    %reduce_min3A_14 = vector.multi_reduction <minsi>, %select_n3A, %reduce_min3A [1] : vector<256x64xi32> to vector<256xi32>
    %broadcast_in_dim3A_15 = vector.shape_cast %reduce_min3A_14 : vector<256xi32> to vector<256x1xi32>
    %swap3A = arith.constant 0 : index
    %swap3A_16 = arith.constant 0 : index
    %swap3A_17 = vector.load %arg3[%swap3A, %swap3A_16] : memref<256x1xi32, #tpu.memory_space<vmem>>, vector<256x1xi32>
    tpu.vector_store %arg3[%swap3A, %swap3A_16], %broadcast_in_dim3A_15 {strides = array<i32>} : memref<256x1xi32, #tpu.memory_space<vmem>>, vector<256x1xi32>,
    return
  }
  func.func @transform_0(%arg0: i32) -> (i32, i32) {
    %c0_i32 = arith.constant 0 : i32
    %c0_i32_0 = arith.constant 0 : i32
    return %arg0, %c0_i32 : i32, i32
  }
  func.func @transform_1(%arg0: i32) -> (i32, i32) {
    %c0_i32 = arith.constant 0 : i32
    %c0_i32_0 = arith.constant 0 : i32
    %c0_i32_1 = arith.constant 0 : i32
    return %c0_i32, %c0_i32_0 : i32, i32
  }
  func.func @transform_2(%arg0: i32) -> (i32, i32) {
    %c0_i32 = arith.constant 0 : i32
    %c0_i32_0 = arith.constant 0 : i32
    return %arg0, %c0_i32 : i32, i32
  }
}

module attributes {stable_mosaic.version = 14 : i64} {
  func.func @_shared_body(%arg0: i32, %arg1: memref<256x1024xf32, #tpu.memory_space<vmem>>, %arg2: memref<256x1024xf32, #tpu.memory_space<vmem>>, %arg3: memref<1024x1024xf32, #tpu.memory_space<vmem>>, %arg4: memref<1024x1024xf32, #tpu.memory_space<vmem>>, %arg5: memref<1024x1024xf32, #tpu.memory_space<vmem>>, %arg6: memref<256x1024xf32, #tpu.memory_space<vmem>>) attributes {dimension_semantics = [#tpu.dimension_semantics<arbitrary>], iteration_bounds = array<i64: 8>, scalar_prefetch = 0 : i64, scratch_operands = 0 : i64, tpu.core_type = #tpu.core_type<tc>, window_params = [{transform_indices = @transform_0, window_bounds = array<i64: 256, 1024>}, {transform_indices = @transform_1, window_bounds = array<i64: 256, 1024>}, {pipeline_mode = #tpu.pipeline_mode<synchronous>, transform_indices = @transform_2, window_bounds = array<i64: 1024, 1024>}, {pipeline_mode = #tpu.pipeline_mode<synchronous>, transform_indices = @transform_3, window_bounds = array<i64: 1024, 1024>}, {pipeline_mode = #tpu.pipeline_mode<synchronous>, transform_indices = @transform_4, window_bounds = array<i64: 1024, 1024>}, {transform_indices = @transform_5, window_bounds = array<i64: 256, 1024>}]} {
    %get3A = arith.constant 0 : index
    %get3A_0 = arith.constant 0 : index
    %get3A_1 = vector.load %arg1[%get3A, %get3A_0] : memref<256x1024xf32, #tpu.memory_space<vmem>>, vector<256x1024xf32>
    %get3A_2 = arith.constant 0 : index
    %get3A_3 = arith.constant 0 : index
    %get3A_4 = vector.load %arg3[%get3A_2, %get3A_3] : memref<1024x1024xf32, #tpu.memory_space<vmem>>, vector<1024x1024xf32>
    %dot_general3A = arith.constant dense<0.000000e+00> : vector<256x1024xf32>
    %dot_general3A_5 = tpu.matmul %get3A_1, %get3A_4, %dot_general3A {dimension_numbers = #tpu.dot_dimension_numbers<[1], [1], [0], [0], [0, 0, 1, 0], [], []>, transpose_lhs_hint = false} : vector<256x1024xf32>, vector<1024x1024xf32>, vector<256x1024xf32> -> vector<256x1024xf32>
    %get3A_6 = arith.constant 0 : index
    %get3A_7 = arith.constant 0 : index
    %get3A_8 = vector.load %arg4[%get3A_6, %get3A_7] : memref<1024x1024xf32, #tpu.memory_space<vmem>>, vector<1024x1024xf32>
    %dot_general3A_9 = arith.constant dense<0.000000e+00> : vector<256x1024xf32>
    %dot_general3A_10 = tpu.matmul %get3A_1, %get3A_8, %dot_general3A_9 {dimension_numbers = #tpu.dot_dimension_numbers<[1], [1], [0], [0], [0, 0, 1, 0], [], []>, transpose_lhs_hint = false} : vector<256x1024xf32>, vector<1024x1024xf32>, vector<256x1024xf32> -> vector<256x1024xf32>
    %logistic3A = arith.negf %dot_general3A_5 : vector<256x1024xf32>
    %logistic3A_11 = math.exp %logistic3A : vector<256x1024xf32>
    %logistic3A_12 = arith.constant 1.000000e+00 : f32
    %logistic3A_13 = vector.broadcast %logistic3A_12 : f32 to vector<256x1024xf32>
    %logistic3A_14 = arith.addf %logistic3A_13, %logistic3A_11 : vector<256x1024xf32>
    %logistic3A_15 = arith.divf %logistic3A_13, %logistic3A_14 : vector<256x1024xf32>
    %mul3A = arith.mulf %dot_general3A_5, %logistic3A_15 : vector<256x1024xf32>
    %mul3A_16 = arith.mulf %mul3A, %dot_general3A_10 : vector<256x1024xf32>
    %get3A_17 = arith.constant 0 : index
    %get3A_18 = arith.constant 0 : index
    %get3A_19 = vector.load %arg2[%get3A_17, %get3A_18] : memref<256x1024xf32, #tpu.memory_space<vmem>>, vector<256x1024xf32>
    %get3A_20 = arith.constant 0 : index
    %get3A_21 = arith.constant 0 : index
    %get3A_22 = vector.load %arg5[%get3A_20, %get3A_21] : memref<1024x1024xf32, #tpu.memory_space<vmem>>, vector<1024x1024xf32>
    %dot_general3A_23 = arith.constant dense<0.000000e+00> : vector<256x1024xf32>
    %dot_general3A_24 = tpu.matmul %mul3A_16, %get3A_22, %dot_general3A_23 {dimension_numbers = #tpu.dot_dimension_numbers<[1], [1], [0], [0], [0, 0, 1, 0], [], []>, transpose_lhs_hint = false} : vector<256x1024xf32>, vector<1024x1024xf32>, vector<256x1024xf32> -> vector<256x1024xf32>
    %add3A = arith.addf %get3A_19, %dot_general3A_24 : vector<256x1024xf32>
    %swap3A = arith.constant 0 : index
    %swap3A_25 = arith.constant 0 : index
    %swap3A_26 = vector.load %arg6[%swap3A, %swap3A_25] : memref<256x1024xf32, #tpu.memory_space<vmem>>, vector<256x1024xf32>
    tpu.vector_store %arg6[%swap3A, %swap3A_25], %add3A {strides = array<i32>} : memref<256x1024xf32, #tpu.memory_space<vmem>>, vector<256x1024xf32>,
    return
  }
  func.func @transform_0(%arg0: i32) -> (i32, i32) {
    %c0_i32 = arith.constant 0 : i32
    %c0_i32_0 = arith.constant 0 : i32
    return %arg0, %c0_i32 : i32, i32
  }
  func.func @transform_1(%arg0: i32) -> (i32, i32) {
    %c0_i32 = arith.constant 0 : i32
    %c0_i32_0 = arith.constant 0 : i32
    return %arg0, %c0_i32 : i32, i32
  }
  func.func @transform_2(%arg0: i32) -> (i32, i32) {
    %c0_i32 = arith.constant 0 : i32
    %c0_i32_0 = arith.constant 0 : i32
    %c0_i32_1 = arith.constant 0 : i32
    return %c0_i32, %c0_i32_0 : i32, i32
  }
  func.func @transform_3(%arg0: i32) -> (i32, i32) {
    %c0_i32 = arith.constant 0 : i32
    %c0_i32_0 = arith.constant 0 : i32
    %c0_i32_1 = arith.constant 0 : i32
    return %c0_i32, %c0_i32_0 : i32, i32
  }
  func.func @transform_4(%arg0: i32) -> (i32, i32) {
    %c0_i32 = arith.constant 0 : i32
    %c0_i32_0 = arith.constant 0 : i32
    %c0_i32_1 = arith.constant 0 : i32
    return %c0_i32, %c0_i32_0 : i32, i32
  }
  func.func @transform_5(%arg0: i32) -> (i32, i32) {
    %c0_i32 = arith.constant 0 : i32
    %c0_i32_0 = arith.constant 0 : i32
    return %arg0, %c0_i32 : i32, i32
  }
}

module attributes {stable_mosaic.version = 14 : i64} {
  func.func @_experts_body(%arg0: i32, %arg1: memref<96xi32, #tpu.memory_space<smem>>, %arg2: memref<96xi32, #tpu.memory_space<smem>>, %arg3: memref<64x1024xf32, #tpu.memory_space<vmem>>, %arg4: memref<1x1024x1024xf32, #tpu.memory_space<vmem>>, %arg5: memref<1x1024x1024xf32, #tpu.memory_space<vmem>>, %arg6: memref<1x1024x1024xf32, #tpu.memory_space<vmem>>, %arg7: memref<64x1024xf32, #tpu.memory_space<vmem>>) attributes {dimension_semantics = [#tpu.dimension_semantics<arbitrary>], iteration_bounds = array<i64: 96>, scalar_prefetch = 2 : i64, scratch_operands = 0 : i64, tpu.core_type = #tpu.core_type<tc>, window_params = [{transform_indices = @transform_0, window_bounds = array<i64: 64, 1024>}, {transform_indices = @transform_1, window_bounds = array<i64: 1, 1024, 1024>}, {transform_indices = @transform_2, window_bounds = array<i64: 1, 1024, 1024>}, {transform_indices = @transform_3, window_bounds = array<i64: 1, 1024, 1024>}, {transform_indices = @transform_4, window_bounds = array<i64: 64, 1024>}]} {
    %get3A = arith.index_cast %arg0 : i32 to index
    %get3A_0 = memref.load %arg2[%get3A] : memref<96xi32, #tpu.memory_space<smem>>
    %ne3A = arith.constant 0 : i32
    %ne3A_1 = arith.cmpi ne, %get3A_0, %ne3A : i32
    %convert_element_type3A = arith.extui %ne3A_1 : i1 to i32
    %cond3A = arith.constant 0 : i32
    %cond3A_2 = arith.cmpi ne, %convert_element_type3A, %cond3A : i32
    scf.if %cond3A_2 {
      %get3A_3 = arith.constant 0 : index
      %get3A_4 = arith.constant 0 : index
      %get3A_5 = vector.load %arg3[%get3A_3, %get3A_4] : memref<64x1024xf32, #tpu.memory_space<vmem>>, vector<64x1024xf32>
      %get3A_6 = arith.constant 0 : index
      %get3A_7 = arith.constant 0 : index
      %get3A_8 = arith.constant 0 : index
      %get3A_9 = vector.load %arg4[%get3A_6, %get3A_7, %get3A_8] : memref<1x1024x1024xf32, #tpu.memory_space<vmem>>, vector<1x1024x1024xf32>
      %get3A_10 = vector.shape_cast %get3A_9 : vector<1x1024x1024xf32> to vector<1024x1024xf32>
      %dot_general3A = arith.constant dense<0.000000e+00> : vector<64x1024xf32>
      %dot_general3A_11 = tpu.matmul %get3A_5, %get3A_10, %dot_general3A {dimension_numbers = #tpu.dot_dimension_numbers<[1], [1], [0], [0], [0, 0, 1, 0], [], []>, transpose_lhs_hint = false} : vector<64x1024xf32>, vector<1024x1024xf32>, vector<64x1024xf32> -> vector<64x1024xf32>
      %get3A_12 = arith.constant 0 : index
      %get3A_13 = arith.constant 0 : index
      %get3A_14 = arith.constant 0 : index
      %get3A_15 = vector.load %arg5[%get3A_12, %get3A_13, %get3A_14] : memref<1x1024x1024xf32, #tpu.memory_space<vmem>>, vector<1x1024x1024xf32>
      %get3A_16 = vector.shape_cast %get3A_15 : vector<1x1024x1024xf32> to vector<1024x1024xf32>
      %dot_general3A_17 = arith.constant dense<0.000000e+00> : vector<64x1024xf32>
      %dot_general3A_18 = tpu.matmul %get3A_5, %get3A_16, %dot_general3A_17 {dimension_numbers = #tpu.dot_dimension_numbers<[1], [1], [0], [0], [0, 0, 1, 0], [], []>, transpose_lhs_hint = false} : vector<64x1024xf32>, vector<1024x1024xf32>, vector<64x1024xf32> -> vector<64x1024xf32>
      %logistic3A = arith.negf %dot_general3A_11 : vector<64x1024xf32>
      %logistic3A_19 = math.exp %logistic3A : vector<64x1024xf32>
      %logistic3A_20 = arith.constant 1.000000e+00 : f32
      %logistic3A_21 = vector.broadcast %logistic3A_20 : f32 to vector<64x1024xf32>
      %logistic3A_22 = arith.addf %logistic3A_21, %logistic3A_19 : vector<64x1024xf32>
      %logistic3A_23 = arith.divf %logistic3A_21, %logistic3A_22 : vector<64x1024xf32>
      %mul3A = arith.mulf %dot_general3A_11, %logistic3A_23 : vector<64x1024xf32>
      %mul3A_24 = arith.mulf %mul3A, %dot_general3A_18 : vector<64x1024xf32>
      %get3A_25 = arith.constant 0 : index
      %get3A_26 = arith.constant 0 : index
      %get3A_27 = arith.constant 0 : index
      %get3A_28 = vector.load %arg6[%get3A_25, %get3A_26, %get3A_27] : memref<1x1024x1024xf32, #tpu.memory_space<vmem>>, vector<1x1024x1024xf32>
      %get3A_29 = vector.shape_cast %get3A_28 : vector<1x1024x1024xf32> to vector<1024x1024xf32>
      %dot_general3A_30 = arith.constant dense<0.000000e+00> : vector<64x1024xf32>
      %dot_general3A_31 = tpu.matmul %mul3A_24, %get3A_29, %dot_general3A_30 {dimension_numbers = #tpu.dot_dimension_numbers<[1], [1], [0], [0], [0, 0, 1, 0], [], []>, transpose_lhs_hint = false} : vector<64x1024xf32>, vector<1024x1024xf32>, vector<64x1024xf32> -> vector<64x1024xf32>
      %swap3A = arith.constant 0 : index
      %swap3A_32 = arith.constant 0 : index
      %swap3A_33 = vector.load %arg7[%swap3A, %swap3A_32] : memref<64x1024xf32, #tpu.memory_space<vmem>>, vector<64x1024xf32>
      tpu.vector_store %arg7[%swap3A, %swap3A_32], %dot_general3A_31 {strides = array<i32>} : memref<64x1024xf32, #tpu.memory_space<vmem>>, vector<64x1024xf32>,
    } else {
    }
    return
  }
  func.func @transform_0(%arg0: i32, %arg1: memref<96xi32, #tpu.memory_space<smem>>, %arg2: memref<96xi32, #tpu.memory_space<smem>>) -> (i32, i32) {
    %get3A = arith.index_cast %arg0 : i32 to index
    %get3A_0 = memref.load %arg2[%get3A] : memref<96xi32, #tpu.memory_space<smem>>
    %ne3A = arith.constant 0 : i32
    %ne3A_1 = arith.cmpi ne, %get3A_0, %ne3A : i32
    %jit3A = arith.constant 95 : i32
    %select_n3A = arith.select %ne3A_1, %arg0, %jit3A : i32
    %c0_i32 = arith.constant 0 : i32
    %c0_i32_2 = arith.constant 0 : i32
    return %select_n3A, %c0_i32 : i32, i32
  }
  func.func @transform_1(%arg0: i32, %arg1: memref<96xi32, #tpu.memory_space<smem>>, %arg2: memref<96xi32, #tpu.memory_space<smem>>) -> (i32, i32, i32) {
    %get3A = arith.index_cast %arg0 : i32 to index
    %get3A_0 = memref.load %arg1[%get3A] : memref<96xi32, #tpu.memory_space<smem>>
    %c0_i32 = arith.constant 0 : i32
    %c0_i32_1 = arith.constant 0 : i32
    %c0_i32_2 = arith.constant 0 : i32
    return %get3A_0, %c0_i32, %c0_i32_1 : i32, i32, i32
  }
  func.func @transform_2(%arg0: i32, %arg1: memref<96xi32, #tpu.memory_space<smem>>, %arg2: memref<96xi32, #tpu.memory_space<smem>>) -> (i32, i32, i32) {
    %get3A = arith.index_cast %arg0 : i32 to index
    %get3A_0 = memref.load %arg1[%get3A] : memref<96xi32, #tpu.memory_space<smem>>
    %c0_i32 = arith.constant 0 : i32
    %c0_i32_1 = arith.constant 0 : i32
    %c0_i32_2 = arith.constant 0 : i32
    return %get3A_0, %c0_i32, %c0_i32_1 : i32, i32, i32
  }
  func.func @transform_3(%arg0: i32, %arg1: memref<96xi32, #tpu.memory_space<smem>>, %arg2: memref<96xi32, #tpu.memory_space<smem>>) -> (i32, i32, i32) {
    %get3A = arith.index_cast %arg0 : i32 to index
    %get3A_0 = memref.load %arg1[%get3A] : memref<96xi32, #tpu.memory_space<smem>>
    %c0_i32 = arith.constant 0 : i32
    %c0_i32_1 = arith.constant 0 : i32
    %c0_i32_2 = arith.constant 0 : i32
    return %get3A_0, %c0_i32, %c0_i32_1 : i32, i32, i32
  }
  func.func @transform_4(%arg0: i32, %arg1: memref<96xi32, #tpu.memory_space<smem>>, %arg2: memref<96xi32, #tpu.memory_space<smem>>) -> (i32, i32) {
    %get3A = arith.index_cast %arg0 : i32 to index
    %get3A_0 = memref.load %arg2[%get3A] : memref<96xi32, #tpu.memory_space<smem>>
    %ne3A = arith.constant 0 : i32
    %ne3A_1 = arith.cmpi ne, %get3A_0, %ne3A : i32
    %jit3A = arith.constant 95 : i32
    %select_n3A = arith.select %ne3A_1, %arg0, %jit3A : i32
    %c0_i32 = arith.constant 0 : i32
    %c0_i32_2 = arith.constant 0 : i32
    return %select_n3A, %c0_i32 : i32, i32
  }
}

</mosaic_0001>

<sc_bundles>
// kernel: kernel.10.cloned.1.call-start
scs
__scs_entry_jumppad:
0x0: {  	(pc) =	sbr.rel $0x88, $3  }
0x1: {  	(tag) =	ssettag $0x0;
	lr =	simm.s32 $0x1  }
0x2: {  	[smem:$0x3F99] =	sst lr;
	_ =	strace $0xD0000000  }
0x3: {  	_ = 	snop  }
0x4: {  	_ = 	snop  }
0x5: {  	_ = 	snop  }
0x6: {  	_ = 	snop  }
0x7: {  	_ = 	snop  }
__scs_overlays_trampoline_lowered:
0x8: {  	[smem:$0x3FA8] =	sst s0  }
0x9: {  	[smem:$0x3FA9] =	sst s1  }
0xa: {  	[smem:$0x3FAA] =	sst s2  }
0xb: {  	[smem:$0x3FAB] =	sst s3  }
0xc: {  	[smem:$0x3FAC] =	sst s4  }
0xd: {  	[smem:$0x3FAD] =	sst s5  }
0xe: {  	[smem:$0x3FAE] =	sst s6  }
0xf: {  	[smem:$0x3FAF] =	sst s7  }
0x10: {  	[smem:$0x3FB0] =	sst s8  }
0x11: {  	[smem:$0x3FB1] =	sst s9;
	s0 =	simm.s32 @!p0 $0x0  }
0x12: {  	s1 =	sld [smem:$0x3F97];
	s0 =	simm.s32 @p0 $0x1  }
0x13: {  	[smem:$0x3FB2] =	sst s0;
	s0 =	simm.s32 @!p1 $0x0  }
0x14: {  	s2 =	sld [smem:$0x3F96];
	s0 =	simm.s32 @p1 $0x1  }
0x15: {  	[smem:$0x3FB3] =	sst s0;
	s0 =	simm.s32 @!p2 $0x0  }
0x16: {  	s3 =	sld [smem:$0x3FDB];
	s0 =	simm.s32 @p2 $0x1  }
0x17: {  	s4 =	simm.s32 $0x1BF5;
	[smem:$0x3FB5] =	sst s0  }
0x18: {  	s0 =	sld [smem:$0x3F98];
	_ =	swait.ge [sflag:s4], $0x0  }
0x19: {  	s7 =	sld [smem:$0x3F99]  }
0x1a: {  	s8 =	sadd.s32 $0xFFFFE003, lr  }
0x1b: {  	s9 =	sadd.s32 $0xFFFFFEF7, lr;
	s5 =	simm.s32 $0xFFFFFFFF;
	p2 =	slt.u32 s8, $0xFFFFF086  }
0x1c: {  	p1 =	slt.u32 s9, $0xF7A;
	s5 =	simm.s32 @!p2 $0x0  }
0x1d: {  	s5 =	simm.s32 @p1 $0x1;
	p0 =	seq.s32 s7, s2  }
0x1e: {  	s7 =	smul.u32 @!p0 $0xF7A, s2;
	p2 =	seq.s32 @!p0 s5, $0x0  }
0x1f: {  	s9 =	smul.u32 $0xF7A, s1;
	s8 =	simm.s32 @!p0 $0x1BF5;
	p2 =	por !p2, p0  }
0x20: {  	[sflag:s8] =	ssyncset.s32 @!p0 $0xFFFFF086;
	s6 =	sadd.s32 @!p0 s3, s7;
	s7 =	simm.s32 @!p0 $0x108  }
0x21: {  	s3 =	sadd.s32 s3, s9;
	s6 =	sadd.s32 @!p0 $0x88, s6;
	s7 =	simm.s32 @p2 $0x1082  }
0x22: {  	[simem:s7], [sflag:s8] =	dma.local @!p0 [hbm:s6], $0xF7A  }
0x23: {  	s9 =	sor.u32 $0xD0000000, s2;
	s6 =	simm.s32 $0x108;
	_ =	swait.ge @!p0 [sflag:s8], $0x0  }
0x24: {  	s3 =	sadd.s32 $0x88, s3;
	s6 =	simm.s32 @!p1 $0x1082;
	[sflag:s4] =	ssyncset.s32 $0xFFFFF086  }
0x25: {  	[simem:s6], [sflag:s4] =	dma.local [hbm:s3], $0xF7A  }
0x26: {  	[smem:$0x3F99] =	sst s1;
	(tag) =	ssettag s2;
	_ =	strace s9  }
0x27: {  	s1 =	sld [smem:$0x3FA9]  }
0x28: {  	s2 =	sld [smem:$0x3FAA]  }
0x29: {  	s4 =	sld [smem:$0x3FAC]  }
0x2a: {  	p0 =	seq.s32 s5, $0x0;
	s5 =	sld [smem:$0x3FAD]  }
0x2b: {  	s6 =	sld [smem:$0x3FAE]  }
0x2c: {  	s7 =	sld [smem:$0x3FAF]  }
0x2d: {  	s3 =	simm.s32 $0x108;
	s8 =	sld [smem:$0x3FB0]  }
0x2e: {  	s3 =	simm.s32 @!p0 $0x1082;
	s9 =	sld [smem:$0x3FB1]  }
0x2f: {  	lr =	sadd.s32 s0, s3;
	s0 =	sld [smem:$0x3FA8]  }
0x30: {  	s3 =	sld [smem:$0x3FAB]  }
0x31: {  	[smem:$0x3FB4] =	sst s10  }
0x32: {  	s10 =	sld [smem:$0x3FB2];
	_ =	sdelay $0x3  }
0x33: {  	p0 =	seq.s32 s10, $0x1;
	s10 =	sld [smem:$0x3FB4];
	_ =	sdelay $0x3  }
0x34: {  	[smem:$0x3FB4] =	sst s10  }
0x35: {  	s10 =	sld [smem:$0x3FB3];
	_ =	sdelay $0x3  }
0x36: {  	p1 =	seq.s32 s10, $0x1;
	s10 =	sld [smem:$0x3FB4];
	_ =	sdelay $0x3  }
0x37: {  	[smem:$0x3FB4] =	sst s10  }
0x38: {  	s10 =	sld [smem:$0x3FB5]  }
0x39: {  	_ = 	snop;
	(pc) =	sbr.ind lr, $3  }
0x3a: {  	_ = 	snop  }
0x3b: {  	_ = 	snop  }
0x3c: {  	p2 =	seq.s32 s10, $0x1;
	s10 =	sld [smem:$0x3FB4]  }
0x3d: {  	_ =	shalt  }
0x3e: {  	_ =	shalt  }
0x3f: {  	_ =	shalt  }
0x40: {  	_ =	shalt  }
0x41: {  	_ =	shalt  }
0x42: {  	_ =	shalt  }
0x43: {  	_ =	shalt  }
0x44: {  	_ =	shalt  }
0x45: {  	_ =	shalt  }
0x46: {  	_ =	shalt  }
0x47: {  	_ =	shalt  }
0x48: {  	_ =	shalt  }
0x49: {  	_ =	shalt  }
0x4a: {  	_ =	shalt  }
0x4b: {  	_ =	shalt  }
0x4c: {  	_ =	shalt  }
0x4d: {  	_ =	shalt  }
0x4e: {  	_ =	shalt  }
0x4f: {  	_ =	shalt  }
0x50: {  	_ =	shalt  }
0x51: {  	_ =	shalt  }
0x52: {  	_ =	shalt  }
0x53: {  	_ =	shalt  }
0x54: {  	_ =	shalt  }
0x55: {  	_ =	shalt  }
0x56: {  	_ =	shalt  }
0x57: {  	_ =	shalt  }
0x58: {  	_ =	shalt  }
0x59: {  	_ =	shalt  }
0x5a: {  	_ =	shalt  }
0x5b: {  	_ =	shalt  }
0x5c: {  	_ =	shalt  }
0x5d: {  	_ =	shalt  }
0x5e: {  	_ =	shalt  }
0x5f: {  	_ =	shalt  }
0x60: {  	_ =	shalt  }
0x61: {  	_ =	shalt  }
0x62: {  	_ =	shalt  }
0x63: {  	_ =	shalt  }
0x64: {  	_ =	shalt  }
0x65: {  	_ =	shalt  }
0x66: {  	_ =	shalt  }
0x67: {  	_ =	shalt  }
0x68: {  	_ =	shalt  }
0x69: {  	_ =	shalt  }
0x6a: {  	_ =	shalt  }
0x6b: {  	_ =	shalt  }
0x6c: {  	_ =	shalt  }
0x6d: {  	_ =	shalt  }
0x6e: {  	_ =	shalt  }
0x6f: {  	_ =	shalt  }
0x70: {  	_ =	shalt  }
0x71: {  	_ =	shalt  }
0x72: {  	_ =	shalt  }
0x73: {  	_ =	shalt  }
0x74: {  	_ =	shalt  }
0x75: {  	_ =	shalt  }
0x76: {  	_ =	shalt  }
0x77: {  	_ =	shalt  }
0x78: {  	_ =	shalt  }
0x79: {  	_ =	shalt  }
0x7a: {  	_ =	shalt  }
0x7b: {  	_ =	shalt  }
0x7c: {  	_ =	shalt  }
0x7d: {  	_ =	shalt  }
0x7e: {  	_ =	shalt  }
0x7f: {  	_ =	shalt  }
0x80: {  	_ =	shalt  }
0x81: {  	_ =	shalt  }
0x82: {  	_ =	shalt  }
0x83: {  	_ =	shalt  }
0x84: {  	_ =	shalt  }
0x85: {  	_ =	shalt  }
0x86: {  	_ =	shalt  }
0x87: {  	_ =	shalt  }
.Lfunc_end0:
.L_simem_size_0:
called_computation.1_lowered:
.L_overlay_start_0:
0x88: {  	s2 =	sld [smem:$0x3FD9]  }
0x89: {  	s3 =	sld [smem:$0x3FFE];
	_ =	sdelay $0x1  }
0x8a: {  	s1 =	srdreg.scid  }
0x8b: {  	s0 =	sand.u32 $0x1, s1  }
0x8c: {  	s16 =	sshll.u32 s0, $0xA;
	s2 =	sadd.s32 s3, s2  }
0x8d: {  	s2 =	sadd.s32 s2, s16  }
0x8e: {  	[smem:$0x3FC0] =	sst s2  }
0x8f: {  	_ = 	snop  }
0x90: {  	(tm) =	ssettm $0x1  }
0x91: {  	s17 =	sld [smem:$0x3FFB];
	_ =	sdelay $0x3  }
0x92: {  	_ =	strace s17  }
0x93: {  	s2 =	sld [smem:$0x3FFC];
	_ =	sdelay $0x3  }
0x94: {  	_ =	strace s2  }
0x95: {  	s2 =	sld [smem:$0x3FFD];
	_ =	sdelay $0x3  }
0x96: {  	_ =	strace s2  }
0x97: {  	_ =	strace $0x8FFFFFFF  }
0x98: {  	s18 =	sld [smem:$0x3FDB];
	_ =	sdelay $0x1  }
0x99: {  	s19 =	simm.s32 $_scs_section_size  }
0x9a: {  	s4 =	simm.s32 $_size__tile_overlayer_lowered;
	s5 =	simm.s32 $_tile_overlayer_lowered  }
0x9b: {  	s22 =	simm.s32 $0x1BFF;
	s21 =	sshll.u32 s5, $0x1;
	s2 =	sadd.s32 s19, s18  }
0x9c: {  	s6 =	simm.s32 $0x0;
	s20 =	sshll.u32 s4, $0x1;
	s4 =	sadd.s32 s21, s2  }
0x9d: {  	[timem:s6], [sflag:s22] =	dma.local [hbm:s4], s20  }
0x9e: {  	_ =	swait.ge [sflag:s22], s20  }
0x9f: {  	s3 =	ssub.s32 $0x0, s20;
	[sflag:s22] =	ssyncset.done $0x0  }
0xa0: {  	[sflag:s22] =	ssyncadd.s32 s3;
	_ =	sdelay $0x1  }
0xa1: {  	s23 =	simm.s32 $0x1B8B  }
0xa2: {  	_ =	swait.ge [sflag:s23], $0x1  }
0xa3: {  	[sflag:s23] =	ssyncset.done $0x0  }
0xa4: {  	s25 =	simm.s32 $0x1B8E;
	s24 =	sld [smem:$0x3FFE];
	[sflag:s23] =	ssyncadd.s32 $0xFFFFFFFF  }
0xa5: {  	s26 =	simm.s32 $execute0_lowered;
	[smem:$0x3FD2] =	sst s25  }
0xa6: {  	s4 =	sshll.u32 s26, $0x1;
	_ =	strace $0x80000049;
	[dreg:$0x1] =	wrdreg $0xFFFFFFFF  }
0xa7: {  	s28 =	simm.s32 $_size_execute0_lowered;
	s2 =	sadd.s32 s2, s4;
	[dreg:$0x0] =	wrdreg $0x0  }
0xa8: {  	s4 =	sshll.u32 s28, $0x1;
	[dreg:$0x2] =	wrdreg s2  }
0xa9: {  	[dreg:$0x3] =	wrdreg s4  }
0xaa: {  	[dreg:$0x4] =	wrdreg $0xC0  }
0xab: {  	_ =	task [dreg:s6], $0x5FFFF  }
0xac: {  	[dreg:$0x1] =	wrdreg $0xFFFFFFFF  }
0xad: {  	[dreg:$0x0] =	wrdreg $0x60  }
0xae: {  	[dreg:$0x2] =	wrdreg s24  }
0xaf: {  	[dreg:$0x3] =	wrdreg $0x9  }
0xb0: {  	_ =	task.clear_ibuf [dreg:s6], $0x4FFFF;
	_ =	strace $0x90000049  }
0xb1: {  	s29 =	simm.s32 $0x9;
	_ =	strace $0x8000004B  }
0xb2: {  	_ =	swait.ge [sflag:s29], $0x1  }
0xb3: {  	[sflag:s29] =	ssyncadd.s32 $0xFFFFFFFF  }
0xb4: {  	_ =	strace $0x9000004B  }
0xb5: {  	_ =	sfence  }
0xb6: {  	s30 =	sld [smem:$0x0];
	_ =	sdelay $0x2  }
0xb7: {  	s31 =	sshll.u32 s1, $0xD;
	s1 =	sshrl.u32 s1, $0x2  }
0xb8: {  	s3 =	sand.u32 $0x4000, s31;
	s1 =	sadd.s32 s1, s30  }
0xb9: {  	s0 =	sor.u32 s3, s0;
	s1 =	sshll.u32 s1, $0x11  }
0xba: {  	s0 =	sor.u32 s1, s0  }
0xbb: {  	s0 =	sadd.s32 $0x8F2B, s0  }
0xbc: {  	[sflag:s0] =	ssyncadd.remote.s32 $0x1  }
0xbd: {  	_ =	sfence.sel $0xFFFF  }
0xbe: {  	[dreg:$0x0] =	wrdreg $0xFFFFFFFF;
	(pc) =	sbr.abs _section_cstart, $3  }
0xbf: {  	[dreg:$0x1] =	wrdreg $0xFFFFFFFF  }
0xc0: {  	_ =	task.clear_ibuf [dreg:s6], $0x2FFFF;
	_ =	strace $0x9FFFFFFF  }
0xc1: {  	(tm) =	ssettm $0x7FFFFFFF  }
tec
execute0_lowered:
.L_overlay_start_1:
0x0: {  	(tag) =	ssettag $0x1  }
0x1: {  	s1 =	srdreg.scid;
	s0 =	stileid.u32  }
0x2: {  	s6 =	rddreg [dreg:$0x0];
	s16 =	simm.s32 $0x880;
	s17 =	simm.s32 $0x1080  }
0x3: {  	s18 =	simm.s32 $0x1880;
	s19 =	simm.s32 $0x2080;
	s1 =	sand.u32 $0x1, s1  }
0x4: {  	s20 =	simm.s32 $0x2880;
	s2 =	sshll.u32 s0, $0x7;
	s3 =	sshll.u32 s1, $0x6  }
0x5: {  	s21 =	simm.s32 $0x3080;
	s3 =	sor.u32 s3, s2;
	s2 =	simm.s32 $0x0  }
0x6: {  	s22 =	simm.s32 $0x3880;
	s23 =	simm.s32 $0x4080;
	[smem:$0x7FF] =	sst s2  }
0x7: {  	s7 =	simm.s32 $0x4880;
	_ =	strace $0x8000004A;
	[dreg:$0x5] =	wrdreg s16  }
0x8: {  	s24 =	simm.s32 $0x5080;
	s8 =	simm.s32 $0x5880;
	[dreg:$0x6] =	wrdreg s17  }
0x9: {  	s25 =	simm.s32 $0x6080;
	s26 =	simm.s32 $0x6880;
	[dreg:$0x7] =	wrdreg s18  }
0xa: {  	s9 =	simm.s32 $0x80;
	s11 =	simm.s32 $0x7880;
	[dreg:$0x8] =	wrdreg s19  }
0xb: {  	s12 =	simm.s32 $0x1;
	s13 =	simm.s32 $0x8080;
	[dreg:$0x9] =	wrdreg s20  }
0xc: {  	s14 =	simm.s32 $0x8880;
	s28 =	simm.s32 $0xF080;
	[dreg:$0xa] =	wrdreg s21  }
0xd: {  	s29 =	simm.s32 $0xF880;
	s30 =	simm.s32 $0x3;
	[dreg:$0xb] =	wrdreg s22  }
0xe: {  	s31 =	simm.s32 $0x2;
	s1 =	ssub.s32 $0x2, s1;
	[dreg:$0xc] =	wrdreg s23  }
0xf: {  	s5 =	sshrl.u32 s1, $0x1;
	s4 =	sshrl.u32 s3, $0x3;
	[dreg:$0xd] =	wrdreg s7  }
0x10: {  	s3 =	sshll.u32 s3, $0x7;
	s1 =	ssub.s32 s1, s5;
	[dreg:$0xe] =	wrdreg s24  }
0x11: {  	s5 =	sadd.s32 $0xC2000, s6;
	s4 =	sadd.s32 s4, s6;
	[dreg:$0xf] =	wrdreg s8  }
0x12: {  	s3 =	sadd.s32 s3, s6;
	s7 =	smax.u32 s1, $0x1;
	[dreg:$0x10] =	wrdreg s25  }
0x13: {  	s8 =	simm.s32 $0x5;
	[dreg:$0x11] =	wrdreg s26;
	s16 =	simm.s32 $0x9880  }
0x14: {  	s17 =	simm.s32 $0xA080;
	s18 =	simm.s32 $0xA880;
	s19 =	simm.s32 $0xB080  }
0x15: {  	s20 =	simm.s32 $0xB880;
	s21 =	simm.s32 $0xC080;
	s22 =	simm.s32 $0xC880  }
0x16: {  	s23 =	simm.s32 $0xD080;
	s24 =	simm.s32 $0xD880;
	s4 =	sadd.s32 $0xC1C00, s4  }
0x17: {  	s25 =	simm.s32 $0xE080;
	s15 =	sadd.s32 $0x1800, s3;
	[dreg:$0x2] =	wrdreg s4  }
0x18: {  	v2 =	vlaneseq.u32;
	s26 =	simm.s32 $0xE880;
	s3 =	sadd.s32 $0x2800, s3;
	[dreg:$0x3] =	wrdreg s15  }
0x19: {  	vm0 =	vmmov $0xffff;
	v1 =	vshrl.u32 v2, $0x3;
	s1 =	simm.s32 $0x4;
	[dreg:$0x4] =	wrdreg s3;
	s3 =	sadd.s32 $0xC1E00, s6  }
0x1a: {  	v0 =	vand.u32 $0x7, v2;
	v2 =	vor.u32 $0x8, v2;
	v1 =	vmul.u32 $0x8, v1;
	s4 =	sadd.s32 $0xC1F00, s6;
	s6 =	sadd.s32 $0xC2100, s6;
	s15 =	simm.s32 $0x9080  }
.LBB2_1:
0x1b: {  	s0 =	rddreg [dreg:$0x2]  }
0x1c: {  	[tilespmem:s2], [sflag:$0x5] =	stream.linear.gather [hbm4b:s0+s2], $0x40, $0x38;
	[tilespmem:$0x10080] =	vst v63  }
0x1d: {  	_ =	swait.ge [sflag:s8], $0x40  }
0x1e: {  	[sflag:s8] =	ssyncset.done $0x0  }
0x1f: {  	[sflag:s8] =	ssyncadd.s32 $0xFFFFFFC0  }
0x20: {  	v3 =	vld [tilespmem:$0x0];
	_ =	sdelay $0x4  }
0x21: {  	v4 =	vshll.u32 v3, $0x3  }
0x22: {  	v3 =	vand.u32 $0x7, v3;
	v4 =	vand.u32 $0xFFFFFFC0, v4  }
0x23: {  	v3 =	vor.u32 v3, v4  }
0x24: {  	v4 =	vperm.xlane v3, v0;
	_ =	sdelay $0x1  }
0x25: {  	v4 =	vadd.s32 v1, v4;
	_ =	sdelay $0x4  }
0x26: {  	[tilespmem:s9], [sflag:$0x1] =	stream.indirect_vreg.gather [hbm4b:s3+s2], $0x80, v4, vm0, $0xb8;
	[tilespmem:$0x10080] =	vst v63  }
0x27: {  	s0 =	rddreg [dreg:$0x5];
	v3 =	vperm.xlane v3, v2  }
0x28: {  	[tilespmem:s0], [sflag:$0x1] =	stream.indirect_vreg.gather [hbm4b:s4+s2], $0x80, v4, vm0, $0xb8;
	[tilespmem:$0x10080] =	vst v63  }
0x29: {  	s10 =	rddreg [dreg:$0x6];
	v3 =	vadd.s32 v1, v3  }
0x2a: {  	[tilespmem:s10], [sflag:$0x1] =	stream.indirect_vreg.gather [hbm4b:s5+s2], $0x80, v4, vm0, $0xb8;
	[tilespmem:$0x10080] =	vst v63  }
0x2b: {  	s0 =	rddreg [dreg:$0x7]  }
0x2c: {  	[tilespmem:s0], [sflag:$0x1] =	stream.indirect_vreg.gather [hbm4b:s6+s2], $0x80, v4, vm0, $0xb8;
	[tilespmem:$0x10080] =	vst v63  }
0x2d: {  	s10 =	rddreg [dreg:$0x8]  }
0x2e: {  	[tilespmem:s10], [sflag:$0x1] =	stream.indirect_vreg.gather [hbm4b:s3+s2], $0x80, v3, vm0, $0xb8;
	[tilespmem:$0x10080] =	vst v63  }
0x2f: {  	s0 =	rddreg [dreg:$0x9]  }
0x30: {  	[tilespmem:s0], [sflag:$0x1] =	stream.indirect_vreg.gather [hbm4b:s4+s2], $0x80, v3, vm0, $0xb8;
	[tilespmem:$0x10080] =	vst v63  }
0x31: {  	s10 =	rddreg [dreg:$0xa]  }
0x32: {  	[tilespmem:s10], [sflag:$0x1] =	stream.indirect_vreg.gather [hbm4b:s5+s2], $0x80, v3, vm0, $0xb8;
	[tilespmem:$0x10080] =	vst v63  }
0x33: {  	s0 =	rddreg [dreg:$0xb]  }
0x34: {  	[tilespmem:s0], [sflag:$0x1] =	stream.indirect_vreg.gather [hbm4b:s6+s2], $0x80, v3, vm0, $0xb8;
	[tilespmem:$0x10080] =	vst v63  }
0x35: {  	v3 =	vld [tilespmem:$0x10];
	_ =	sdelay $0x4  }
0x36: {  	v61 =	vshll.u32 v3, $0x3  }
0x37: {  	v3 =	vand.u32 $0x7, v3;
	v4 =	vand.u32 $0xFFFFFFC0, v61  }
0x38: {  	v3 =	vor.u32 v3, v4  }
0x39: {  	v4 =	vperm.xlane v3, v0;
	_ =	sdelay $0x1  }
0x3a: {  	v4 =	vadd.s32 v1, v4;
	_ =	sdelay $0x3  }
0x3b: {  	s0 =	rddreg [dreg:$0xc]  }
0x3c: {  	[tilespmem:s0], [sflag:$0x1] =	stream.indirect_vreg.gather [hbm4b:s3+s2], $0x80, v4, vm0, $0xb8;
	[tilespmem:$0x10080] =	vst v63  }
0x3d: {  	s10 =	rddreg [dreg:$0xd];
	v3 =	vperm.xlane v3, v2  }
0x3e: {  	[tilespmem:s10], [sflag:$0x1] =	stream.indirect_vreg.gather [hbm4b:s4+s2], $0x80, v4, vm0, $0xb8;
	[tilespmem:$0x10080] =	vst v63  }
0x3f: {  	v3 =	vadd.s32 v1, v3;
	s0 =	rddreg [dreg:$0xe]  }
0x40: {  	[tilespmem:s0], [sflag:$0x1] =	stream.indirect_vreg.gather [hbm4b:s5+s2], $0x80, v4, vm0, $0xb8;
	[tilespmem:$0x10080] =	vst v63  }
0x41: {  	s10 =	rddreg [dreg:$0xf]  }
0x42: {  	[tilespmem:s10], [sflag:$0x1] =	stream.indirect_vreg.gather [hbm4b:s6+s2], $0x80, v4, vm0, $0xb8;
	[tilespmem:$0x10080] =	vst v63  }
0x43: {  	s0 =	rddreg [dreg:$0x10]  }
0x44: {  	[tilespmem:s0], [sflag:$0x1] =	stream.indirect_vreg.gather [hbm4b:s3+s2], $0x80, v3, vm0, $0xb8;
	[tilespmem:$0x10080] =	vst v63  }
0x45: {  	s10 =	rddreg [dreg:$0x11]  }
0x46: {  	[tilespmem:s10], [sflag:$0x1] =	stream.indirect_vreg.gather [hbm4b:s4+s2], $0x80, v3, vm0, $0xb8;
	[tilespmem:$0x10080] =	vst v63  }
0x47: {  	s10 =	simm.s32 $0x7080  }
0x48: {  	[tilespmem:s10], [sflag:$0x1] =	stream.indirect_vreg.gather [hbm4b:s5+s2], $0x80, v3, vm0, $0xb8;
	[tilespmem:$0x10080] =	vst v63  }
0x49: {  	_ = 	snop  }
0x4a: {  	[tilespmem:s11], [sflag:$0x1] =	stream.indirect_vreg.gather [hbm4b:s6+s2], $0x80, v3, vm0, $0xb8;
	[tilespmem:$0x10080] =	vst v63  }
0x4b: {  	_ =	swait.ge [sflag:s12], $0x8000  }
0x4c: {  	[sflag:s12] =	ssyncset.done $0x0  }
0x4d: {  	[sflag:s12] =	ssyncadd.s32 $0xFFFF8000  }
0x4e: {  	v3 =	vld [tilespmem:$0x20];
	_ =	sdelay $0x4  }
0x4f: {  	v62 =	vshll.u32 v3, $0x3  }
0x50: {  	v3 =	vand.u32 $0x7, v3;
	v4 =	vand.u32 $0xFFFFFFC0, v62  }
0x51: {  	v3 =	vor.u32 v3, v4  }
0x52: {  	v4 =	vperm.xlane v3, v0;
	_ =	sdelay $0x1  }
0x53: {  	v4 =	vadd.s32 v1, v4;
	_ =	sdelay $0x4  }
0x54: {  	[tilespmem:s13], [sflag:$0x2] =	stream.indirect_vreg.gather [hbm4b:s3+s2], $0x80, v4, vm0, $0xb8;
	[tilespmem:$0x10080] =	vst v63  }
0x55: {  	v3 =	vperm.xlane v3, v2  }
0x56: {  	[tilespmem:s14], [sflag:$0x2] =	stream.indirect_vreg.gather [hbm4b:s4+s2], $0x80, v4, vm0, $0xb8;
	[tilespmem:$0x10080] =	vst v63  }
0x57: {  	v3 =	vadd.s32 v1, v3  }
0x58: {  	[tilespmem:s15], [sflag:$0x2] =	stream.indirect_vreg.gather [hbm4b:s5+s2], $0x80, v4, vm0, $0xb8;
	[tilespmem:$0x10080] =	vst v63  }
0x59: {  	_ = 	snop  }
0x5a: {  	[tilespmem:s16], [sflag:$0x2] =	stream.indirect_vreg.gather [hbm4b:s6+s2], $0x80, v4, vm0, $0xb8;
	[tilespmem:$0x10080] =	vst v63  }
0x5b: {  	_ = 	snop  }
0x5c: {  	[tilespmem:s17], [sflag:$0x2] =	stream.indirect_vreg.gather [hbm4b:s3+s2], $0x80, v3, vm0, $0xb8;
	[tilespmem:$0x10080] =	vst v63  }
0x5d: {  	_ = 	snop  }
0x5e: {  	[tilespmem:s18], [sflag:$0x2] =	stream.indirect_vreg.gather [hbm4b:s4+s2], $0x80, v3, vm0, $0xb8;
	[tilespmem:$0x10080] =	vst v63  }
0x5f: {  	_ = 	snop  }
0x60: {  	[tilespmem:s19], [sflag:$0x2] =	stream.indirect_vreg.gather [hbm4b:s5+s2], $0x80, v3, vm0, $0xb8;
	[tilespmem:$0x10080] =	vst v63  }
0x61: {  	_ = 	snop  }
0x62: {  	[tilespmem:s20], [sflag:$0x2] =	stream.indirect_vreg.gather [hbm4b:s6+s2], $0x80, v3, vm0, $0xb8;
	[tilespmem:$0x10080] =	vst v63  }
0x63: {  	v3 =	vld [tilespmem:$0x30];
	_ =	sdelay $0x4  }
0x64: {  	v63 =	vshll.u32 v3, $0x3  }
0x65: {  	v3 =	vand.u32 $0x7, v3;
	v4 =	vand.u32 $0xFFFFFFC0, v63  }
0x66: {  	v3 =	vor.u32 v3, v4  }
0x67: {  	v4 =	vperm.xlane v3, v0;
	_ =	sdelay $0x1  }
0x68: {  	v4 =	vadd.s32 v1, v4;
	_ =	sdelay $0x4  }
0x69: {  	[tilespmem:s21], [sflag:$0x2] =	stream.indirect_vreg.gather [hbm4b:s3+s2], $0x80, v4, vm0, $0xb8;
	[tilespmem:$0x10080] =	vst v63  }
0x6a: {  	v3 =	vperm.xlane v3, v2  }
0x6b: {  	[tilespmem:s22], [sflag:$0x2] =	stream.indirect_vreg.gather [hbm4b:s4+s2], $0x80, v4, vm0, $0xb8;
	[tilespmem:$0x10080] =	vst v63  }
0x6c: {  	v3 =	vadd.s32 v1, v3  }
0x6d: {  	[tilespmem:s23], [sflag:$0x2] =	stream.indirect_vreg.gather [hbm4b:s5+s2], $0x80, v4, vm0, $0xb8;
	[tilespmem:$0x10080] =	vst v63  }
0x6e: {  	_ = 	snop  }
0x6f: {  	[tilespmem:s24], [sflag:$0x2] =	stream.indirect_vreg.gather [hbm4b:s6+s2], $0x80, v4, vm0, $0xb8;
	[tilespmem:$0x10080] =	vst v63  }
0x70: {  	_ = 	snop  }
0x71: {  	[tilespmem:s25], [sflag:$0x2] =	stream.indirect_vreg.gather [hbm4b:s3+s2], $0x80, v3, vm0, $0xb8;
	[tilespmem:$0x10080] =	vst v63  }
0x72: {  	_ = 	snop  }
0x73: {  	[tilespmem:s26], [sflag:$0x2] =	stream.indirect_vreg.gather [hbm4b:s4+s2], $0x80, v3, vm0, $0xb8;
	[tilespmem:$0x10080] =	vst v63  }
0x74: {  	_ = 	snop  }
0x75: {  	[tilespmem:s28], [sflag:$0x2] =	stream.indirect_vreg.gather [hbm4b:s5+s2], $0x80, v3, vm0, $0xb8;
	[tilespmem:$0x10080] =	vst v63  }
0x76: {  	_ = 	snop  }
0x77: {  	[tilespmem:s29], [sflag:$0x2] =	stream.indirect_vreg.gather [hbm4b:s6+s2], $0x80, v3, vm0, $0xb8;
	[tilespmem:$0x10080] =	vst v63  }
0x78: {  	s10 =	rddreg [dreg:$0x3]  }
0x79: {  	[hbm4b:s10+s2] =	stream.linear.scatter [tilespmem:s9], [sflag:$0x3], $0x8000, $0x38;
	[tilespmem:$0x10080] =	vst v63  }
0x7a: {  	_ =	swait.ge [sflag:s30], $0x8000  }
0x7b: {  	[sflag:s30] =	ssyncset.done $0x0  }
0x7c: {  	[sflag:s30] =	ssyncadd.s32 $0xFFFF8000  }
0x7d: {  	_ =	swait.ge [sflag:s31], $0x8000  }
0x7e: {  	p0 =	sne.s32 s7, $0x1;
	[sflag:s31] =	ssyncset.done $0x0  }
.Ltmp0:
0x7f: {  	s10 =	rddreg [dreg:$0x4];
	[sflag:s31] =	ssyncadd.s32 $0xFFFF8000;
	(pc) =	sbr.rel @p0 .LBB2_1-.Ltmp0, $4  }
0x80: {  	[hbm4b:s10+s2] =	stream.linear.scatter [tilespmem:s13], [sflag:$0x4], $0x8000, $0x38;
	[tilespmem:$0x10080] =	vst v63  }
0x81: {  	_ =	swait.ge [sflag:s1], $0x8000  }
0x82: {  	[sflag:s1] =	ssyncset.done $0x0  }
0x83: {  	s7 =	sadd.s32 $0xFFFFFFFF, s7;
	[sflag:s1] =	ssyncadd.s32 $0xFFFF8000  }
0x84: {  	_ =	sfence.sel $0x180000  }
0x85: {  	[bflag:$0x0] =	sbarrier.arrive $0xFFFF  }
0x86: {  	_ =	strace $0x9000004A  }
0x87: {  	s0 =	stileid.u32;
	[bflag:$0x2] =	sbarrier.arrive $0xFFFF  }
0x88: {  	p0 =	sne.s32 s0, $0x0;
	s0 =	rddreg [dreg:$0x1]  }
0x89: {  	s0 =	sadd.s32 @!p0 $0x100000, s0  }
0x8a: {  	[sflag:s0] =	ssyncadd.tile.s32 @!p0 $0x1;
	_ =	shalt  }
.Lfunc_end2:
_tile_overlayer_lowered:
.L_overlay_start_2:
0x8b: {  	(tag) =	ssettag $0x2  }
0x8c: {  	s0 =	rddreg [dreg:$0x0];
	s2 =	stileid.u32  }
0x8d: {  	s1 =	rddreg [dreg:$0x1];
	p0 =	sne.s32 s2, $0x0  }
0x8e: {  	s3 =	rddreg [dreg:$0x2];
	[bflag:$0x3] =	sbarrier.arrive $0xFFFF;
	s2 =	simm.s32 @!p0 $0x1C05  }
0x8f: {  	[timem:s3], [sflag:s2] =	dma.local @!p0 [hbm:s0], s1  }
0x90: {  	s0 =	simm.s32 @!p0 $0x5  }
0x91: {  	_ =	swait.ge @!p0 [sflag:s0], s1  }
0x92: {  	s1 =	ssub.s32 @!p0 $0x0, s1;
	[sflag:s0] =	ssyncset.done @!p0 $0x0  }
0x93: {  	[sflag:s0] =	ssyncadd.s32 @!p0 s1  }
0x94: {  	[bflag:$0x3] =	sbarrier.arrive $0xFFFF  }
0x95: {  	_ =	shalt  }

// kernel: kernel.7.cloned.1.call-start
scs
__scs_entry_jumppad:
0x0: {  	(pc) =	sbr.rel $0x88, $3  }
0x1: {  	(tag) =	ssettag $0x0;
	lr =	simm.s32 $0x1  }
0x2: {  	[smem:$0x3F99] =	sst lr;
	_ =	strace $0xD0000000  }
0x3: {  	_ = 	snop  }
0x4: {  	_ = 	snop  }
0x5: {  	_ = 	snop  }
0x6: {  	_ = 	snop  }
0x7: {  	_ = 	snop  }
__scs_overlays_trampoline_lowered:
0x8: {  	[smem:$0x3FA8] =	sst s0  }
0x9: {  	[smem:$0x3FA9] =	sst s1  }
0xa: {  	[smem:$0x3FAA] =	sst s2  }
0xb: {  	[smem:$0x3FAB] =	sst s3  }
0xc: {  	[smem:$0x3FAC] =	sst s4  }
0xd: {  	[smem:$0x3FAD] =	sst s5  }
0xe: {  	[smem:$0x3FAE] =	sst s6  }
0xf: {  	[smem:$0x3FAF] =	sst s7  }
0x10: {  	[smem:$0x3FB0] =	sst s8  }
0x11: {  	[smem:$0x3FB1] =	sst s9;
	s0 =	simm.s32 @!p0 $0x0  }
0x12: {  	s1 =	sld [smem:$0x3F97];
	s0 =	simm.s32 @p0 $0x1  }
0x13: {  	[smem:$0x3FB2] =	sst s0;
	s0 =	simm.s32 @!p1 $0x0  }
0x14: {  	s2 =	sld [smem:$0x3F96];
	s0 =	simm.s32 @p1 $0x1  }
0x15: {  	[smem:$0x3FB3] =	sst s0;
	s0 =	simm.s32 @!p2 $0x0  }
0x16: {  	s3 =	sld [smem:$0x3FDB];
	s0 =	simm.s32 @p2 $0x1  }
0x17: {  	s4 =	simm.s32 $0x1BF5;
	[smem:$0x3FB5] =	sst s0  }
0x18: {  	s0 =	sld [smem:$0x3F98];
	_ =	swait.ge [sflag:s4], $0x0  }
0x19: {  	s7 =	sld [smem:$0x3F99]  }
0x1a: {  	s8 =	sadd.s32 $0xFFFFE003, lr  }
0x1b: {  	s9 =	sadd.s32 $0xFFFFFEF7, lr;
	s5 =	simm.s32 $0xFFFFFFFF;
	p2 =	slt.u32 s8, $0xFFFFF086  }
0x1c: {  	p1 =	slt.u32 s9, $0xF7A;
	s5 =	simm.s32 @!p2 $0x0  }
0x1d: {  	s5 =	simm.s32 @p1 $0x1;
	p0 =	seq.s32 s7, s2  }
0x1e: {  	s7 =	smul.u32 @!p0 $0xF7A, s2;
	p2 =	seq.s32 @!p0 s5, $0x0  }
0x1f: {  	s9 =	smul.u32 $0xF7A, s1;
	s8 =	simm.s32 @!p0 $0x1BF5;
	p2 =	por !p2, p0  }
0x20: {  	[sflag:s8] =	ssyncset.s32 @!p0 $0xFFFFF086;
	s6 =	sadd.s32 @!p0 s3, s7;
	s7 =	simm.s32 @!p0 $0x108  }
0x21: {  	s3 =	sadd.s32 s3, s9;
	s6 =	sadd.s32 @!p0 $0x88, s6;
	s7 =	simm.s32 @p2 $0x1082  }
0x22: {  	[simem:s7], [sflag:s8] =	dma.local @!p0 [hbm:s6], $0xF7A  }
0x23: {  	s9 =	sor.u32 $0xD0000000, s2;
	s6 =	simm.s32 $0x108;
	_ =	swait.ge @!p0 [sflag:s8], $0x0  }
0x24: {  	s3 =	sadd.s32 $0x88, s3;
	s6 =	simm.s32 @!p1 $0x1082;
	[sflag:s4] =	ssyncset.s32 $0xFFFFF086  }
0x25: {  	[simem:s6], [sflag:s4] =	dma.local [hbm:s3], $0xF7A  }
0x26: {  	[smem:$0x3F99] =	sst s1;
	(tag) =	ssettag s2;
	_ =	strace s9  }
0x27: {  	s1 =	sld [smem:$0x3FA9]  }
0x28: {  	s2 =	sld [smem:$0x3FAA]  }
0x29: {  	s4 =	sld [smem:$0x3FAC]  }
0x2a: {  	p0 =	seq.s32 s5, $0x0;
	s5 =	sld [smem:$0x3FAD]  }
0x2b: {  	s6 =	sld [smem:$0x3FAE]  }
0x2c: {  	s7 =	sld [smem:$0x3FAF]  }
0x2d: {  	s3 =	simm.s32 $0x108;
	s8 =	sld [smem:$0x3FB0]  }
0x2e: {  	s3 =	simm.s32 @!p0 $0x1082;
	s9 =	sld [smem:$0x3FB1]  }
0x2f: {  	lr =	sadd.s32 s0, s3;
	s0 =	sld [smem:$0x3FA8]  }
0x30: {  	s3 =	sld [smem:$0x3FAB]  }
0x31: {  	[smem:$0x3FB4] =	sst s10  }
0x32: {  	s10 =	sld [smem:$0x3FB2];
	_ =	sdelay $0x3  }
0x33: {  	p0 =	seq.s32 s10, $0x1;
	s10 =	sld [smem:$0x3FB4];
	_ =	sdelay $0x3  }
0x34: {  	[smem:$0x3FB4] =	sst s10  }
0x35: {  	s10 =	sld [smem:$0x3FB3];
	_ =	sdelay $0x3  }
0x36: {  	p1 =	seq.s32 s10, $0x1;
	s10 =	sld [smem:$0x3FB4];
	_ =	sdelay $0x3  }
0x37: {  	[smem:$0x3FB4] =	sst s10  }
0x38: {  	s10 =	sld [smem:$0x3FB5]  }
0x39: {  	_ = 	snop;
	(pc) =	sbr.ind lr, $3  }
0x3a: {  	_ = 	snop  }
0x3b: {  	_ = 	snop  }
0x3c: {  	p2 =	seq.s32 s10, $0x1;
	s10 =	sld [smem:$0x3FB4]  }
0x3d: {  	_ =	shalt  }
0x3e: {  	_ =	shalt  }
0x3f: {  	_ =	shalt  }
0x40: {  	_ =	shalt  }
0x41: {  	_ =	shalt  }
0x42: {  	_ =	shalt  }
0x43: {  	_ =	shalt  }
0x44: {  	_ =	shalt  }
0x45: {  	_ =	shalt  }
0x46: {  	_ =	shalt  }
0x47: {  	_ =	shalt  }
0x48: {  	_ =	shalt  }
0x49: {  	_ =	shalt  }
0x4a: {  	_ =	shalt  }
0x4b: {  	_ =	shalt  }
0x4c: {  	_ =	shalt  }
0x4d: {  	_ =	shalt  }
0x4e: {  	_ =	shalt  }
0x4f: {  	_ =	shalt  }
0x50: {  	_ =	shalt  }
0x51: {  	_ =	shalt  }
0x52: {  	_ =	shalt  }
0x53: {  	_ =	shalt  }
0x54: {  	_ =	shalt  }
0x55: {  	_ =	shalt  }
0x56: {  	_ =	shalt  }
0x57: {  	_ =	shalt  }
0x58: {  	_ =	shalt  }
0x59: {  	_ =	shalt  }
0x5a: {  	_ =	shalt  }
0x5b: {  	_ =	shalt  }
0x5c: {  	_ =	shalt  }
0x5d: {  	_ =	shalt  }
0x5e: {  	_ =	shalt  }
0x5f: {  	_ =	shalt  }
0x60: {  	_ =	shalt  }
0x61: {  	_ =	shalt  }
0x62: {  	_ =	shalt  }
0x63: {  	_ =	shalt  }
0x64: {  	_ =	shalt  }
0x65: {  	_ =	shalt  }
0x66: {  	_ =	shalt  }
0x67: {  	_ =	shalt  }
0x68: {  	_ =	shalt  }
0x69: {  	_ =	shalt  }
0x6a: {  	_ =	shalt  }
0x6b: {  	_ =	shalt  }
0x6c: {  	_ =	shalt  }
0x6d: {  	_ =	shalt  }
0x6e: {  	_ =	shalt  }
0x6f: {  	_ =	shalt  }
0x70: {  	_ =	shalt  }
0x71: {  	_ =	shalt  }
0x72: {  	_ =	shalt  }
0x73: {  	_ =	shalt  }
0x74: {  	_ =	shalt  }
0x75: {  	_ =	shalt  }
0x76: {  	_ =	shalt  }
0x77: {  	_ =	shalt  }
0x78: {  	_ =	shalt  }
0x79: {  	_ =	shalt  }
0x7a: {  	_ =	shalt  }
0x7b: {  	_ =	shalt  }
0x7c: {  	_ =	shalt  }
0x7d: {  	_ =	shalt  }
0x7e: {  	_ =	shalt  }
0x7f: {  	_ =	shalt  }
0x80: {  	_ =	shalt  }
0x81: {  	_ =	shalt  }
0x82: {  	_ =	shalt  }
0x83: {  	_ =	shalt  }
0x84: {  	_ =	shalt  }
0x85: {  	_ =	shalt  }
0x86: {  	_ =	shalt  }
0x87: {  	_ =	shalt  }
.Lfunc_end0:
.L_simem_size_0:
called_computation_lowered:
.L_overlay_start_0:
0x88: {  	s2 =	sld [smem:$0x3FD9]  }
0x89: {  	s3 =	sld [smem:$0x3FFE];
	_ =	sdelay $0x1  }
0x8a: {  	s1 =	srdreg.scid  }
0x8b: {  	s0 =	sand.u32 $0x1, s1  }
0x8c: {  	s17 =	sshll.u32 s0, $0xA;
	s2 =	sadd.s32 s3, s2  }
0x8d: {  	s2 =	sadd.s32 s2, s17  }
0x8e: {  	[smem:$0x3FC0] =	sst s2  }
0x8f: {  	_ = 	snop  }
0x90: {  	s2 =	sld [smem:$0x3FC9]  }
0x91: {  	s18 =	sld [smem:$0x3FD0];
	(tm) =	ssettm $0x1  }
0x92: {  	s4 =	sld [smem:$0x3FFB];
	_ =	sdelay $0x3  }
0x93: {  	_ =	strace s4  }
0x94: {  	s4 =	sld [smem:$0x3FFC];
	_ =	sdelay $0x3  }
0x95: {  	_ =	strace s4  }
0x96: {  	s4 =	sld [smem:$0x3FFD];
	_ =	sdelay $0x3  }
0x97: {  	_ =	strace s4  }
0x98: {  	_ =	strace $0x8FFFFFFF  }
0x99: {  	s19 =	sld [smem:$0x3FDB];
	_ =	sdelay $0x1  }
0x9a: {  	s5 =	simm.s32 $_scs_section_size  }
0x9b: {  	s6 =	simm.s32 $_size__tile_overlayer_lowered;
	s7 =	simm.s32 $_tile_overlayer_lowered  }
0x9c: {  	s22 =	simm.s32 $0x1BFF;
	s21 =	sshll.u32 s7, $0x1;
	s4 =	sadd.s32 s5, s19  }
0x9d: {  	s8 =	simm.s32 $0x0;
	s20 =	sshll.u32 s6, $0x1;
	s6 =	sadd.s32 s21, s4  }
0x9e: {  	[timem:s8], [sflag:s22] =	dma.local [hbm:s6], s20  }
0x9f: {  	_ =	swait.ge [sflag:s22], s20  }
0xa0: {  	s5 =	ssub.s32 $0x0, s20;
	[sflag:s22] =	ssyncset.done $0x0  }
0xa1: {  	[sflag:s22] =	ssyncadd.s32 s5;
	_ =	sdelay $0x1  }
0xa2: {  	s23 =	simm.s32 $0x1B8B  }
0xa3: {  	_ =	swait.ge [sflag:s23], $0x1  }
0xa4: {  	[sflag:s23] =	ssyncset.done $0x0  }
0xa5: {  	s25 =	simm.s32 $0x1B8E;
	s24 =	sld [smem:$0x3FFE];
	[sflag:s23] =	ssyncadd.s32 $0xFFFFFFFF  }
0xa6: {  	s26 =	simm.s32 $execute0_lowered;
	[smem:$0x3FD2] =	sst s25  }
0xa7: {  	s6 =	sshll.u32 s26, $0x1;
	_ =	strace $0x80000046;
	[dreg:$0x1] =	wrdreg $0xFFFFFFFF  }
0xa8: {  	s28 =	simm.s32 $_size_execute0_lowered;
	s4 =	sadd.s32 s4, s6;
	[dreg:$0x0] =	wrdreg $0x0  }
0xa9: {  	s6 =	sshll.u32 s28, $0x1;
	[dreg:$0x2] =	wrdreg s4  }
0xaa: {  	[dreg:$0x3] =	wrdreg s6  }
0xab: {  	[dreg:$0x4] =	wrdreg $0xC0  }
0xac: {  	_ =	task [dreg:s8], $0x5FFFF  }
0xad: {  	[dreg:$0x1] =	wrdreg $0xFFFFFFFF  }
0xae: {  	[dreg:$0x0] =	wrdreg $0x60  }
0xaf: {  	[dreg:$0x2] =	wrdreg s18  }
0xb0: {  	[dreg:$0x3] =	wrdreg s2  }
0xb1: {  	[dreg:$0x4] =	wrdreg s24  }
0xb2: {  	[dreg:$0x5] =	wrdreg $0x1AC800  }
0xb3: {  	[dreg:$0x6] =	wrdreg $0x1AE000  }
0xb4: {  	[dreg:$0x7] =	wrdreg $0x9  }
0xb5: {  	_ =	task.clear_ibuf [dreg:s8], $0x8FFFF;
	_ =	strace $0x90000046  }
0xb6: {  	s29 =	simm.s32 $0x9;
	_ =	strace $0x80000048  }
0xb7: {  	_ =	swait.ge [sflag:s29], $0x1  }
0xb8: {  	[sflag:s29] =	ssyncadd.s32 $0xFFFFFFFF  }
0xb9: {  	_ =	strace $0x90000048  }
0xba: {  	_ =	sfence  }
0xbb: {  	s30 =	sld [smem:$0x0];
	_ =	sdelay $0x2  }
0xbc: {  	s31 =	sshll.u32 s1, $0xD;
	s1 =	sshrl.u32 s1, $0x2  }
0xbd: {  	s3 =	sand.u32 $0x4000, s31;
	s1 =	sadd.s32 s1, s30  }
0xbe: {  	s0 =	sor.u32 s3, s0;
	s1 =	sshll.u32 s1, $0x11  }
0xbf: {  	s0 =	sor.u32 s1, s0  }
0xc0: {  	s0 =	sadd.s32 $0x8F2B, s0  }
0xc1: {  	[sflag:s0] =	ssyncadd.remote.s32 $0x1  }
0xc2: {  	_ =	sfence.sel $0xFFFF  }
0xc3: {  	[dreg:$0x0] =	wrdreg $0xFFFFFFFF;
	(pc) =	sbr.abs _section_cstart, $3  }
0xc4: {  	[dreg:$0x1] =	wrdreg $0xFFFFFFFF  }
0xc5: {  	_ =	task.clear_ibuf [dreg:s8], $0x2FFFF;
	_ =	strace $0x9FFFFFFF  }
0xc6: {  	(tm) =	ssettm $0x7FFFFFFF  }
0xc7: {  	_ =	shalt  }
tec
execute0_lowered:
.L_overlay_start_1:
0x0: {  	(tag) =	ssettag $0x1  }
0x1: {  	s2 =	rddreg [dreg:$0x1]  }
0x2: {  	s0 =	rddreg [dreg:$0x2]  }
0x3: {  	s11 =	rddreg [dreg:$0x3]  }
0x4: {  	s4 =	rddreg [dreg:$0x4];
	s5 =	simm.s32 $0x0;
	s1 =	srdreg.scid  }
0x5: {  	s3 =	stileid.u32;
	s22 =	simm.s32 $0x5;
	s28 =	simm.s32 $0x1300  }
0x6: {  	s29 =	simm.s32 $0x2B00;
	s31 =	simm.s32 $0x1;
	[smem:$0x7FF] =	sst s5  }
0x7: {  	s6 =	sadd.s32 $0x1C00, s0;
	s1 =	sand.u32 $0x1, s1;
	s7 =	sshll.u32 s3, $0x1  }
0x8: {  	s8 =	sadd.s32 $0x1800, s0;
	s23 =	sadd.s32 $0x1A00, s0;
	s0 =	sadd.s32 $0xC1C00, s0  }
0x9: {  	s12 =	sadd.s32 $0x200, s2;
	s13 =	sadd.s32 $0x300, s2;
	p0 =	sne.s32 s3, $0x0  }
0xa: {  	s3 =	simm.s32 $0x1A480;
	_ =	strace $0x80000047;
	[dreg:$0x6] =	wrdreg s8  }
0xb: {  	s9 =	ssub.s32 $0x2, s1;
	s7 =	sor.u32 s1, s7;
	[dreg:$0x7] =	wrdreg s23  }
0xc: {  	[dreg:$0x8] =	wrdreg s0;
	s23 =	simm.s32 $0x800;
	p1 =	sne.s32 s1, $0x0  }
0xd: {  	s0 =	simm.s32 $0x2B80;
	s10 =	sshrl.u32 s9, $0x1;
	s8 =	smul.u32 $0xC0, s7  }
0xe: {  	s1 =	simm.s32 $0x19C80;
	s7 =	smul.u32 $0x6000, s7;
	s24 =	ssub.s32 s9, s10  }
0xf: {  	v0 =	vimm.s32 $0x0;
	v1 =	vlaneseq.u32;
	s10 =	sadd.s32 s8, s11;
	s11 =	sadd.s32 $0x100, s2;
	s14 =	sor.u32 $0x30, s8  }
.Ltmp0:
0x10: {  	vm0 =	vcmask $0x300;
	vm1 =	vmmov $0xffff;
	v2 =	vadd.s32 $0x1, v1;
	s15 =	sadd.s32 s6, s7;
	s16 =	sadd.s32 $0x60, s8;
	(pc) =	sbr.rel .LBB2_1-.Ltmp0, $4  }
0x11: {  	v3 =	vadd.s32 $0x11, v1;
	v4 =	vadd.s32 $0x21, v1;
	v5 =	vadd.s32 $0x31, v1;
	s17 =	sadd.s32 $0x90, s8;
	s21 =	smax.u32 s24, $0x1;
	s24 =	simm.s32 $0x980  }
0x12: {  	v6 =	vor.u32 $0x10, v1;
	v7 =	vor.u32 $0x20, v1;
	v8 =	vor.u32 $0x30, v1;
	s25 =	sshll.u32 s14, $0x7;
	s26 =	sshll.u32 s16, $0x7;
	s30 =	sshll.u32 s17, $0x7  }
0x13: {  	v9 =	vor.u32 $0x40, v1;
	v10 =	vor.u32 $0x50, v1;
	v12 =	vshrl.u32 v1, $0x3;
	s18 =	sadd.s32 s6, s25;
	s19 =	sadd.s32 s6, s26;
	s20 =	sadd.s32 s6, s30  }
0x14: {  	v11 =	vand.u32 $0x7, v1;
	v13 =	vor.u32 $0x8, v1;
	v12 =	vmul.u32 $0x8, v12;
	s25 =	simm.s32 $0x880;
	s26 =	simm.s32 $0x900;
	s6 =	simm.s32 $0x0  }
.LBB2_17:
0x15: {  	s9 =	simm.s32 @!p4 $0x0;
	s30 =	simm.s32 @!p4 $0x2C80  }
0x16: {  	[hbm4b:s19+s9] =	stream.linear.scatter @!p4 [tilespmem:s30], [sflag:$0x3], $0xC000, $0x38;
	[tilespmem:$0x1AE08] =	vst v63  }
0x17: {  	s9 =	simm.s32 @!p5 $0x3  }
0x18: {  	_ =	swait.ge @!p5 [sflag:s9], $0xC000  }
0x19: {  	[sflag:s9] =	ssyncset.done @!p5 $0x0  }
0x1a: {  	[sflag:s9] =	ssyncadd.s32 @!p5 $0xFFFF4000;
	s9 =	simm.s32 @!p5 $0x2  }
0x1b: {  	_ =	swait.ge @!p5 [sflag:s9], $0xC000  }
0x1c: {  	p6 =	slt.s32 @!p2 s14, s7;
	s30 =	simm.s32 @!p5 $0xEC80;
	[sflag:s9] =	ssyncset.done @!p5 $0x0  }
0x1d: {  	p2 =	por p6, p2;
	[sflag:s9] =	ssyncadd.s32 @!p5 $0xFFFF4000;
	s9 =	simm.s32 @!p5 $0x0  }
0x1e: {  	[hbm4b:s20+s9] =	stream.linear.scatter @!p5 [tilespmem:s30], [sflag:$0x4], $0xC000, $0x38;
	[tilespmem:$0x1AE08] =	vst v63  }
0x1f: {  	s9 =	simm.s32 @!p2 $0x3  }
0x20: {  	p6 =	slt.s32 @!p3 s16, s7;
	_ =	swait.ge @!p2 [sflag:s9], $0xC000  }
0x21: {  	p3 =	por p6, p3;
	[sflag:s9] =	ssyncset.done @!p2 $0x0  }
0x22: {  	[sflag:s9] =	ssyncadd.s32 @!p2 $0xFFFF4000;
	s9 =	simm.s32 @!p3 $0x4  }
0x23: {  	p2 =	slt.s32 @!p4 s17, s7;
	_ =	swait.ge @!p3 [sflag:s9], $0xC000  }
0x24: {  	p2 =	por p2, p4;
	[sflag:s9] =	ssyncset.done @!p3 $0x0  }
0x25: {  	s7 =	simm.s32 @!p2 $0x3;
	[sflag:s9] =	ssyncadd.s32 @!p3 $0xFFFF4000  }
0x26: {  	_ =	swait.ge @!p2 [sflag:s7], $0xC000  }
0x27: {  	s6 =	sadd.s32 $0x1, s6;
	[sflag:s7] =	ssyncset.done @!p2 $0x0  }
0x28: {  	[sflag:s7] =	ssyncadd.s32 @!p2 $0xFFFF4000;
	p2 =	sne.s32 s6, s21  }
.Ltmp1:
0x29: {  	_ = 	snop;
	(pc) =	sbr.rel @!p2 .LBB2_18-.Ltmp1, $4  }
0x2a: {  	s7 =	simm.s32 @!p5 $0x4  }
0x2b: {  	_ =	swait.ge @!p5 [sflag:s7], $0xC000  }
0x2c: {  	[sflag:s7] =	ssyncset.done @!p5 $0x0  }
0x2d: {  	[sflag:s7] =	ssyncadd.s32 @!p5 $0xFFFF4000  }
.LBB2_1:
.Ltmp2:
0x2e: {  	(pc) =	sbr.rel @p0 .LBB2_9-.Ltmp2, $1  }
0x2f: {  	_ =	sdelay $0x3  }
0x30: {  	s7 =	simm.s32 $0x0;
	s9 =	rddreg [dreg:$0x0]  }
0x31: {  	[tilespmem:s7], [sflag:$0x5] =	stream.linear.gather [hbm4b:s9+s7], $0x800, $0x38;
	[tilespmem:$0x1AE08] =	vst v63  }
0x32: {  	_ =	swait.ge [sflag:s22], $0x800  }
0x33: {  	[sflag:s22] =	ssyncset.done $0x0  }
0x34: {  	[sflag:s22] =	ssyncadd.s32 $0xFFFFF800  }
0x35: {  	[tilespmem:$0x800] =	vst v0  }
0x36: {  	[tilespmem:$0x880] =	vst v0  }
0x37: {  	[tilespmem:$0x810] =	vst v0  }
0x38: {  	[tilespmem:$0x890] =	vst v0  }
0x39: {  	[tilespmem:$0x820] =	vst v0  }
0x3a: {  	[tilespmem:$0x8A0] =	vst v0  }
0x3b: {  	[tilespmem:$0x830] =	vst v0  }
0x3c: {  	[tilespmem:$0x8B0] =	vst v0  }
0x3d: {  	[tilespmem:$0x980] =	vst v0  }
0x3e: {  	[tilespmem:$0x990] =	vst v0  }
0x3f: {  	[tilespmem:$0x9A0] =	vst v0  }
0x40: {  	[tilespmem:$0x9B0] =	vst v0  }
0x41: {  	v14 =	vor.u32 s7, v1;
	[tilespmem:$0x9C0] =	vst v0  }
0x42: {  	s7 =	simm.s32 $0x1300;
	v14 =	vand.u32 $0x7FF, v14;
	[tilespmem:$0x9D0] =	vst v0  }
0x43: {  	s9 =	simm.s32 $0x10;
	[tilespmem:s7+$0x0] =	vst v14  }
.LBB2_3:
0x44: {  	p2 =	sne.s32 s9, $0x17F0  }
.Ltmp3:
0x45: {  	_ = 	snop;
	(pc) =	sbr.rel @p2 .LBB2_3-.Ltmp3, $4  }
0x46: {  	_ = 	snop  }
0x47: {  	v14 =	vor.u32 s9, v1;
	s9 =	sadd.s32 $0x10, s9  }
0x48: {  	s7 =	sadd.s32 $0x10, s7;
	v14 =	vand.u32 $0x7FF, v14  }
0x49: {  	[tilespmem:s7+$0x0] =	vst v14  }
0x4a: {  	s9 =	simm.s32 $0x0;
	s7 =	simm.s32 $0x40  }
.LBB2_5:
0x4b: {  	p2 =	sne.s32 s7, $0x1FC0;
	v14 =	vld [tilespmem:s9+$0x0];
	_ =	sdelay $0x4  }
0x4c: {  	(xrf1) =	vunique.msk.u32 $0xffff, v14;
	_ =	sdelay $0xc  }
0x4d: {  	v15 =	vld.idx.msk [tilespmem:v14+s23+$0x0], $0xffff  }
0x4e: {  	_, v16, vm2 =	vpop (xrf1);
	_ =	sdelay $0x1  }
.Ltmp4:
0x4f: {  	(pc) =	sbr.rel @p2 .LBB2_5-.Ltmp4, $3  }
0x50: {  	_ =	sdelay $0x1  }
0x51: {  	v15 =	vadd.s32 v15, v16  }
0x52: {  	s9 =	sshra.s32 s7, $0x2;
	s7 =	sadd.s32 $0x40, s7;
	[tilespmem:v14+s23+$0x0] =	vst.idx.msk vm2, v15  }
0x53: {  	v14 =	vld [tilespmem:s9+$0x0];
	_ =	sdelay $0x4  }
0x54: {  	(xrf1) =	vunique.msk.u32 $0xffff, v14;
	_ =	sdelay $0xd  }
0x55: {  	v15 =	vld.idx.msk [tilespmem:v14+s23+$0x0], $0xffff;
	_, v16, vm2 =	vpop (xrf1);
	_ =	sdelay $0x4  }
0x56: {  	v15 =	vadd.s32 v15, v16  }
0x57: {  	[tilespmem:v14+s23+$0x0] =	vst.idx.msk vm2, v15  }
0x58: {  	v14 =	vld [tilespmem:$0x800];
	_ =	sdelay $0x4  }
0x59: {  	v14 =	vadd.s32 $0x3F, v14  }
0x5a: {  	v15 =	vshra.s32 v14, $0x1F;
	v38 =	vand.u32 $0x3F, v14  }
0x5b: {  	vm2 =	vlt.s32 v14, $0x1;
	v15 =	vshrl.u32 v15, $0x1A;
	vm3 =	vne.s32 v38, $0x0  }
0x5c: {  	v14 =	vadd.s32 v15, v14;
	vm2 =	vmand vm2, vm3  }
0x5d: {  	v14 =	vshra.s32 v14, $0x6;
	v15 =	vsel vm2, $0xFFFFFFFF, v0  }
0x5e: {  	v14 =	vadd.s32 v15, v14  }
0x5f: {  	(xrf0) =	vadd.scan.msk.s32 $0xffff, v14;
	_ =	sdelay $0x5  }
0x60: {  	vm2 =	vgt.s32 v14, $0x0;
	v15, _, _ =	vpop (xrf0)  }
0x61: {  	v14 =	vsub.s32 v15, v14;
	_ =	sdelay $0x2  }
0x62: {  	v39 =	vshll.u32 v14, $0x6  }
0x63: {  	[tilespmem:$0x900] =	vst v39  }
0x64: {  	[tilespmem:v14+s24+$0x0] =	vst.idx.msk vm2, v2  }
0x65: {  	v14 =	vld [tilespmem:$0x810];
	_ =	sdelay $0x4  }
0x66: {  	v14 =	vadd.s32 $0x3F, v14  }
0x67: {  	v40 =	vshra.s32 v14, $0x1F;
	v17 =	vand.u32 $0x3F, v14  }
0x68: {  	vm2 =	vlt.s32 v14, $0x1;
	v16 =	vshrl.u32 v40, $0x1A;
	vm3 =	vne.s32 v17, $0x0  }
0x69: {  	v14 =	vadd.s32 v16, v14;
	vm2 =	vmand vm2, vm3  }
0x6a: {  	v14 =	vshra.s32 v14, $0x6;
	v41 =	vsel vm2, $0xFFFFFFFF, v0  }
0x6b: {  	v14 =	vadd.s32 v41, v14  }
0x6c: {  	(xrf0) =	vadd.scan.msk.s32 $0xffff, v14;
	_ =	sdelay $0x4  }
0x6d: {  	v15 =	vbroadcast v15, $0xF  }
0x6e: {  	v42, _, _ =	vpop (xrf0)  }
0x6f: {  	vm2 =	vgt.s32 v14, $0x0;
	v15 =	vadd.s32 v15, v42  }
0x70: {  	v14 =	vsub.s32 v15, v14;
	_ =	sdelay $0x2  }
0x71: {  	v43 =	vshll.u32 v14, $0x6  }
0x72: {  	[tilespmem:$0x910] =	vst v43  }
0x73: {  	[tilespmem:v14+s24+$0x0] =	vst.idx.msk vm2, v3  }
0x74: {  	v14 =	vld [tilespmem:$0x820];
	_ =	sdelay $0x4  }
0x75: {  	v14 =	vadd.s32 $0x3F, v14  }
0x76: {  	v44 =	vshra.s32 v14, $0x1F;
	v45 =	vand.u32 $0x3F, v14  }
0x77: {  	vm2 =	vlt.s32 v14, $0x1;
	v16 =	vshrl.u32 v44, $0x1A;
	vm3 =	vne.s32 v45, $0x0  }
0x78: {  	v14 =	vadd.s32 v16, v14;
	vm2 =	vmand vm2, vm3  }
0x79: {  	v14 =	vshra.s32 v14, $0x6;
	v46 =	vsel vm2, $0xFFFFFFFF, v0  }
0x7a: {  	v14 =	vadd.s32 v46, v14  }
0x7b: {  	(xrf0) =	vadd.scan.msk.s32 $0xffff, v14;
	_ =	sdelay $0x4  }
0x7c: {  	v15 =	vbroadcast v15, $0xF  }
0x7d: {  	v47, _, _ =	vpop (xrf0)  }
0x7e: {  	vm2 =	vgt.s32 v14, $0x0;
	v15 =	vadd.s32 v15, v47  }
0x7f: {  	v14 =	vsub.s32 v15, v14;
	_ =	sdelay $0x2  }
0x80: {  	v48 =	vshll.u32 v14, $0x6  }
0x81: {  	[tilespmem:$0x920] =	vst v48  }
0x82: {  	[tilespmem:v14+s24+$0x0] =	vst.idx.msk vm2, v4  }
0x83: {  	v14 =	vld [tilespmem:$0x830];
	_ =	sdelay $0x4  }
0x84: {  	v14 =	vadd.s32 $0x3F, v14  }
0x85: {  	v49 =	vshra.s32 v14, $0x1F;
	v50 =	vand.u32 $0x3F, v14  }
0x86: {  	vm2 =	vlt.s32 v14, $0x1;
	v16 =	vshrl.u32 v49, $0x1A;
	vm3 =	vne.s32 v50, $0x0  }
0x87: {  	v14 =	vadd.s32 v16, v14;
	vm2 =	vmand vm2, vm3  }
0x88: {  	v14 =	vshra.s32 v14, $0x6;
	v51 =	vsel vm2, $0xFFFFFFFF, v0  }
0x89: {  	v16 =	vadd.s32 v51, v14  }
0x8a: {  	(xrf0) =	vadd.scan.msk.s32 $0xffff, v16;
	_ =	sdelay $0x4  }
0x8b: {  	v14 =	vbroadcast v15, $0xF  }
0x8c: {  	v15, _, _ =	vpop (xrf0)  }
0x8d: {  	vm2 =	vgt.s32 v16, $0x0;
	v14 =	vadd.s32 v14, v15  }
0x8e: {  	v15 =	vsub.s32 v14, v16;
	_ =	sdelay $0x2  }
0x8f: {  	v16 =	vshll.u32 v15, $0x6  }
0x90: {  	[tilespmem:$0x930] =	vst v16  }
0x91: {  	[tilespmem:v15+s24+$0x0] =	vst.idx.msk vm2, v5  }
0x92: {  	v15 =	vld [tilespmem:$0x980];
	_ =	sdelay $0x3  }
0x93: {  	v52 =	vld [tilespmem:$0x990]  }
0x94: {  	v15 =	vxor.u32 $0x80000000, v15  }
0x95: {  	(xrf0) =	vmax.scan.msk.u32 $0xffff, v15;
	_ =	sdelay $0x1  }
0x96: {  	v15 =	vld [tilespmem:$0x9A0]  }
0x97: {  	v16 =	vxor.u32 $0x80000000, v52  }
0x98: {  	(xrf0) =	vmax.scan.msk.u32 $0xffff, v16;
	_ =	sdelay $0x1  }
0x99: {  	v54 =	vld [tilespmem:$0x9B0];
	v53, _, _ =	vpop (xrf0)  }
0x9a: {  	v15 =	vxor.u32 $0x80000000, v15;
	v16 =	vxor.u32 $0x80000000, v53  }
0x9b: {  	(xrf0) =	vmax.scan.msk.u32 $0xffff, v15;
	vm2 =	vgt.s32 v16, $0x0  }
0x9c: {  	v15 =	vnsel vm2, $0x0, v16  }
0x9d: {  	v19 =	vld [tilespmem:$0x9C0];
	v55, _, _ =	vpop (xrf0);
	v18 =	vbroadcast v15, $0xF  }
0x9e: {  	v17 =	vxor.u32 $0x80000000, v54;
	v16 =	vxor.u32 $0x80000000, v55  }
0x9f: {  	(xrf0) =	vmax.scan.msk.u32 $0xffff, v17;
	vm2 =	vgt.s32 v16, v18  }
0xa0: {  	v16 =	vsel vm2, v16, v18  }
0xa1: {  	v20 =	vld [tilespmem:$0x9D0];
	v56, _, _ =	vpop (xrf0);
	v18 =	vbroadcast v16, $0xF  }
0xa2: {  	v19 =	vxor.u32 $0x80000000, v19;
	v17 =	vxor.u32 $0x80000000, v56  }
0xa3: {  	(xrf0) =	vmax.scan.msk.u32 $0xffff, v19;
	vm2 =	vgt.s32 v17, v18  }
0xa4: {  	v17 =	vsel vm2, v17, v18  }
0xa5: {  	v57 =	vbroadcast v14, $0xF;
	v58, _, _ =	vpop (xrf0);
	v21 =	vbroadcast v17, $0xF  }
0xa6: {  	v20 =	vxor.u32 $0x80000000, v20;
	v19 =	vxor.u32 $0x80000000, v58  }
0xa7: {  	v15 =	vadd.s32 $0xFFFFFFFF, v15;
	(xrf0) =	vmax.scan.msk.u32 $0xffff, v20;
	vm2 =	vgt.s32 v57, v1;
	vm3 =	vgt.s32 v19, v21  }
0xa8: {  	[tilespmem:$0xA00] =	vst v15;
	v15 =	vsel vm2, $0x1, v0;
	v19 =	vsel vm3, v19, v21  }
0xa9: {  	v59, _, _ =	vpop (xrf0);
	vm2 =	vgt.s32 v57, v6;
	[tilespmem:$0xA80] =	vst v15;
	v15 =	vadd.s32 $0xFFFFFFFF, v16;
	v60 =	vbroadcast v19, $0xF  }
0xaa: {  	v20 =	vxor.u32 $0x80000000, v59;
	[tilespmem:$0xA10] =	vst v15;
	v15 =	vsel vm2, $0x1, v0  }
0xab: {  	vm2 =	vgt.s32 v57, v7;
	[tilespmem:$0xA90] =	vst v15;
	v15 =	vadd.s32 $0xFFFFFFFF, v17;
	vm3 =	vgt.s32 v20, v60  }
0xac: {  	[tilespmem:$0xA20] =	vst v15;
	v15 =	vsel vm2, $0x1, v0;
	v16 =	vsel vm3, v20, v60  }
0xad: {  	v61, _, _ =	vpop (xrf0);
	vm2 =	vgt.s32 v57, v8;
	[tilespmem:$0xAA0] =	vst v15;
	v15 =	vadd.s32 $0xFFFFFFFF, v19;
	v62 =	vbroadcast v16, $0xF  }
0xae: {  	v17 =	vxor.u32 $0x80000000, v61;
	[tilespmem:$0xA30] =	vst v15;
	v15 =	vsel vm2, $0x1, v0  }
0xaf: {  	vm2 =	vgt.s32 v57, v9;
	[tilespmem:$0xAB0] =	vst v15;
	v15 =	vadd.s32 $0xFFFFFFFF, v16;
	vm3 =	vgt.s32 v17, v62  }
0xb0: {  	[tilespmem:$0xA40] =	vst v15;
	v15 =	vsel vm2, $0x1, v0;
	v63 =	vsel vm3, v17, v62  }
0xb1: {  	vm2 =	vgt.s32 v57, v10;
	[tilespmem:$0xAC0] =	vst v15;
	v15 =	vadd.s32 $0xFFFFFFFF, v63  }
0xb2: {  	[tilespmem:$0xA50] =	vst v15;
	v15 =	vsel vm2, $0x1, v0  }
0xb3: {  	s7 =	simm.s32 $0x0;
	s9 =	simm.s32 $0xB00;
	s30 =	simm.s32 $0x0;
	[tilespmem:$0xAD0] =	vst v15  }
.LBB2_7:
0xb4: {  	v15 =	vld [tilespmem:s7+$0x0];
	_ =	sdelay $0x4  }
0xb5: {  	(xrf1) =	vunique.msk.u32 $0xffff, v15;
	_ =	sdelay $0xd  }
0xb6: {  	v16 =	vld.idx.msk [tilespmem:v15+s25+$0x0], $0xffff;
	_, v17, vm2 =	vpop (xrf1);
	_ =	sdelay $0x4  }
0xb7: {  	v16 =	vadd.s32 v16, v17  }
0xb8: {  	[tilespmem:v15+s25+$0x0] =	vst.idx.msk vm2, v16  }
0xb9: {  	v15 =	vld.idx.msk [tilespmem:v15+s26+$0x0], $0xffff;
	_ =	sdelay $0x4  }
0xba: {  	v15 =	vadd.s32 v15, v16  }
0xbb: {  	p2 =	sne.s32 s30, $0x7F0;
	v15 =	vadd.s32 $0xFFFFFFFF, v15  }
.Ltmp5:
0xbc: {  	_ = 	snop;
	(pc) =	sbr.rel @p2 .LBB2_7-.Ltmp5, $3  }
0xbd: {  	_ =	sdelay $0x1  }
0xbe: {  	v63 =	vor.u32 s30, v1;
	[tilespmem:s9+$0x0] =	vst v15  }
0xbf: {  	s7 =	sadd.s32 $0x10, s7;
	s30 =	sadd.s32 $0x10, s30;
	s9 =	sadd.s32 $0x10, s9;
	[tilespmem:v15+s28+$0x0] =	vst.idx.msk $0xffff, v63  }
0xc0: {  	(v2sf) =	vpush v14, $0xF;
	_ =	sdelay $0xe  }
0xc1: {  	s7 =	spop (v2sf)  }
0xc2: {  	s7 =	sshll.u32 s7, $0x6  }
0xc3: {  	v14 =	vmov s7  }
0xc4: {  	v14 =	vnsel vm0, $0x0, v14  }
0xc5: {  	s30 =	rddreg [dreg:$0x3];
	[tilespmem:$0x2B00] =	vst v14  }
0xc6: {  	[spmem:s30] =	stream.linear.scatter [tilespmem:s28], [sflag:$0x5], $0x1800, $0x38;
	[tilespmem:$0x1AE08] =	vst v63  }
0xc7: {  	_ =	swait.ge [sflag:s22], $0x1800  }
0xc8: {  	[sflag:s22] =	ssyncset.done $0x0  }
0xc9: {  	[sflag:s22] =	ssyncadd.s32 $0xFFFFE800  }
0xca: {  	[spmem:s4] =	stream.linear.scatter [tilespmem:s29], [sflag:$0x5], $0x80, $0x38;
	[tilespmem:$0x1AE08] =	vst v63  }
0xcb: {  	_ =	swait.ge [sflag:s22], $0x80  }
0xcc: {  	s9 =	simm.s32 @!p1 $0xA00;
	[sflag:s22] =	ssyncset.done $0x0  }
0xcd: {  	s7 =	simm.s32 @!p1 $0x0;
	s30 =	rddreg [dreg:$0x6];
	[sflag:s22] =	ssyncadd.s32 $0xFFFFFF80  }
0xce: {  	[hbm4b:s30+s7] =	stream.linear.scatter @!p1 [tilespmem:s9], [sflag:$0x5], $0x80, $0x38;
	[tilespmem:$0x1AE08] =	vst v63  }
0xcf: {  	s9 =	simm.s32 @!p1 $0x5  }
0xd0: {  	_ =	swait.ge @!p1 [sflag:s9], $0x80  }
0xd1: {  	[sflag:s9] =	ssyncset.done @!p1 $0x0  }
0xd2: {  	s30 =	simm.s32 @!p1 $0xA80;
	s0 =	rddreg [dreg:$0x7];
	[sflag:s9] =	ssyncadd.s32 @!p1 $0xFFFFFF80  }
0xd3: {  	[hbm4b:s0+s7] =	stream.linear.scatter @!p1 [tilespmem:s30], [sflag:$0x5], $0x80, $0x38;
	[tilespmem:$0x1AE08] =	vst v63  }
0xd4: {  	_ =	swait.ge @!p1 [sflag:s9], $0x80  }
0xd5: {  	[sflag:s9] =	ssyncset.done @!p1 $0x0  }
0xd6: {  	s30 =	simm.s32 @!p1 $0xB00;
	s0 =	rddreg [dreg:$0x8];
	[sflag:s9] =	ssyncadd.s32 @!p1 $0xFFFFFF80  }
0xd7: {  	[hbm4b:s0+s7] =	stream.linear.scatter @!p1 [tilespmem:s30], [sflag:$0x5], $0x800, $0x38;
	[tilespmem:$0x1AE08] =	vst v63  }
0xd8: {  	_ =	swait.ge @!p1 [sflag:s9], $0x800  }
0xd9: {  	[sflag:s9] =	ssyncset.done @!p1 $0x0  }
0xda: {  	s0 =	simm.s32 $0x2B80;
	[sflag:s9] =	ssyncadd.s32 @!p1 $0xFFFFF800  }
.LBB2_9:
0xdb: {  	[bflag:$0x0] =	sbarrier.arrive $0xFFFF  }
0xdc: {  	[tilespmem:s29], [sflag:$0x5] =	stream.linear.gather [spmem:s4], $0x80, $0x38;
	[tilespmem:$0x1AE08] =	vst v63  }
0xdd: {  	_ =	swait.ge [sflag:s22], $0x80  }
0xde: {  	[sflag:s22] =	ssyncset.done $0x0  }
0xdf: {  	[sflag:s22] =	ssyncadd.s32 $0xFFFFFF80  }
0xe0: {  	v14 =	vld [tilespmem:$0x2B00];
	_ =	sdelay $0x4  }
0xe1: {  	(v2sf) =	vpush v14, $0x0;
	_ =	sdelay $0xe  }
0xe2: {  	s7 =	spop (v2sf)  }
0xe3: {  	p2 =	sge.s32 s8, s7  }
.Ltmp6:
0xe4: {  	_ = 	snop;
	(pc) =	sbr.rel @p2 .LBB2_11-.Ltmp6, $4  }
0xe5: {  	[tilespmem:s0], [sflag:$0x5] =	stream.linear.gather [spmem:s10], $0xC0, $0x38;
	[tilespmem:$0x1AE08] =	vst v63  }
0xe6: {  	_ =	swait.ge [sflag:s22], $0xC0  }
0xe7: {  	[sflag:s22] =	ssyncset.done $0x0  }
0xe8: {  	[sflag:s22] =	ssyncadd.s32 $0xFFFFFF40  }
0xe9: {  	v14 =	vld [tilespmem:$0x2B80];
	_ =	sdelay $0x4  }
0xea: {  	v15 =	vshll.u32 v14, $0x3  }
0xeb: {  	v14 =	vand.u32 $0x7, v14;
	v15 =	vand.u32 $0xFFFFFFC0, v15  }
0xec: {  	v14 =	vor.u32 v14, v15  }
0xed: {  	v15 =	vperm.xlane v14, v11;
	_ =	sdelay $0x1  }
0xee: {  	v15 =	vadd.s32 v12, v15;
	_ =	sdelay $0x3  }
0xef: {  	s9 =	simm.s32 $0x2C80  }
0xf0: {  	[tilespmem:s9], [sflag:$0x1] =	stream.indirect_vreg.gather [hbm4b:s2+s5], $0x80, v15, vm1, $0xb8;
	[tilespmem:$0x1AE08] =	vst v63  }
0xf1: {  	s30 =	simm.s32 $0x3480;
	v14 =	vperm.xlane v14, v13  }
0xf2: {  	[tilespmem:s30], [sflag:$0x1] =	stream.indirect_vreg.gather [hbm4b:s11+s5], $0x80, v15, vm1, $0xb8;
	[tilespmem:$0x1AE08] =	vst v63  }
0xf3: {  	v14 =	vadd.s32 v12, v14;
	s30 =	simm.s32 $0x3C80  }
0xf4: {  	[tilespmem:s30], [sflag:$0x1] =	stream.indirect_vreg.gather [hbm4b:s12+s5], $0x80, v15, vm1, $0xb8;
	[tilespmem:$0x1AE08] =	vst v63  }
0xf5: {  	s30 =	simm.s32 $0x4480  }
0xf6: {  	[tilespmem:s30], [sflag:$0x1] =	stream.indirect_vreg.gather [hbm4b:s13+s5], $0x80, v15, vm1, $0xb8;
	[tilespmem:$0x1AE08] =	vst v63  }
0xf7: {  	s30 =	simm.s32 $0x4C80  }
0xf8: {  	[tilespmem:s30], [sflag:$0x1] =	stream.indirect_vreg.gather [hbm4b:s2+s5], $0x80, v14, vm1, $0xb8;
	[tilespmem:$0x1AE08] =	vst v63  }
0xf9: {  	s30 =	simm.s32 $0x5480  }
0xfa: {  	[tilespmem:s30], [sflag:$0x1] =	stream.indirect_vreg.gather [hbm4b:s11+s5], $0x80, v14, vm1, $0xb8;
	[tilespmem:$0x1AE08] =	vst v63  }
0xfb: {  	s30 =	simm.s32 $0x5C80  }
0xfc: {  	[tilespmem:s30], [sflag:$0x1] =	stream.indirect_vreg.gather [hbm4b:s12+s5], $0x80, v14, vm1, $0xb8;
	[tilespmem:$0x1AE08] =	vst v63  }
0xfd: {  	s30 =	simm.s32 $0x6480  }
0xfe: {  	[tilespmem:s30], [sflag:$0x1] =	stream.indirect_vreg.gather [hbm4b:s13+s5], $0x80, v14, vm1, $0xb8;
	[tilespmem:$0x1AE08] =	vst v63  }
0xff: {  	v14 =	vld [tilespmem:$0x2B90];
	_ =	sdelay $0x4  }
0x100: {  	v15 =	vshll.u32 v14, $0x3  }
0x101: {  	v14 =	vand.u32 $0x7, v14;
	v15 =	vand.u32 $0xFFFFFFC0, v15  }
0x102: {  	v14 =	vor.u32 v14, v15  }
0x103: {  	v15 =	vperm.xlane v14, v11;
	_ =	sdelay $0x1  }
0x104: {  	v15 =	vadd.s32 v12, v15;
	_ =	sdelay $0x3  }
0x105: {  	s30 =	simm.s32 $0x6C80  }
0x106: {  	[tilespmem:s30], [sflag:$0x1] =	stream.indirect_vreg.gather [hbm4b:s2+s5], $0x80, v15, vm1, $0xb8;
	[tilespmem:$0x1AE08] =	vst v63  }
0x107: {  	v14 =	vperm.xlane v14, v13;
	s30 =	simm.s32 $0x7480  }
0x108: {  	[tilespmem:s30], [sflag:$0x1] =	stream.indirect_vreg.gather [hbm4b:s11+s5], $0x80, v15, vm1, $0xb8;
	[tilespmem:$0x1AE08] =	vst v63  }
0x109: {  	v14 =	vadd.s32 v12, v14;
	s30 =	simm.s32 $0x7C80  }
0x10a: {  	[tilespmem:s30], [sflag:$0x1] =	stream.indirect_vreg.gather [hbm4b:s12+s5], $0x80, v15, vm1, $0xb8;
	[tilespmem:$0x1AE08] =	vst v63  }
0x10b: {  	s30 =	simm.s32 $0x8480  }
0x10c: {  	[tilespmem:s30], [sflag:$0x1] =	stream.indirect_vreg.gather [hbm4b:s13+s5], $0x80, v15, vm1, $0xb8;
	[tilespmem:$0x1AE08] =	vst v63  }
0x10d: {  	s30 =	simm.s32 $0x8C80  }
0x10e: {  	[tilespmem:s30], [sflag:$0x1] =	stream.indirect_vreg.gather [hbm4b:s2+s5], $0x80, v14, vm1, $0xb8;
	[tilespmem:$0x1AE08] =	vst v63  }
0x10f: {  	s30 =	simm.s32 $0x9480  }
0x110: {  	[tilespmem:s30], [sflag:$0x1] =	stream.indirect_vreg.gather [hbm4b:s11+s5], $0x80, v14, vm1, $0xb8;
	[tilespmem:$0x1AE08] =	vst v63  }
0x111: {  	s30 =	simm.s32 $0x9C80  }
0x112: {  	[tilespmem:s30], [sflag:$0x1] =	stream.indirect_vreg.gather [hbm4b:s12+s5], $0x80, v14, vm1, $0xb8;
	[tilespmem:$0x1AE08] =	vst v63  }
0x113: {  	s30 =	simm.s32 $0xA480  }
0x114: {  	[tilespmem:s30], [sflag:$0x1] =	stream.indirect_vreg.gather [hbm4b:s13+s5], $0x80, v14, vm1, $0xb8;
	[tilespmem:$0x1AE08] =	vst v63  }
0x115: {  	v14 =	vld [tilespmem:$0x2BA0];
	_ =	sdelay $0x4  }
0x116: {  	v15 =	vshll.u32 v14, $0x3  }
0x117: {  	v14 =	vand.u32 $0x7, v14;
	v15 =	vand.u32 $0xFFFFFFC0, v15  }
0x118: {  	v14 =	vor.u32 v14, v15  }
0x119: {  	v15 =	vperm.xlane v14, v11;
	_ =	sdelay $0x1  }
0x11a: {  	v15 =	vadd.s32 v12, v15;
	_ =	sdelay $0x3  }
0x11b: {  	s30 =	simm.s32 $0xAC80  }
0x11c: {  	[tilespmem:s30], [sflag:$0x1] =	stream.indirect_vreg.gather [hbm4b:s2+s5], $0x80, v15, vm1, $0xb8;
	[tilespmem:$0x1AE08] =	vst v63  }
0x11d: {  	v14 =	vperm.xlane v14, v13;
	s30 =	simm.s32 $0xB480  }
0x11e: {  	[tilespmem:s30], [sflag:$0x1] =	stream.indirect_vreg.gather [hbm4b:s11+s5], $0x80, v15, vm1, $0xb8;
	[tilespmem:$0x1AE08] =	vst v63  }
0x11f: {  	v14 =	vadd.s32 v12, v14;
	s30 =	simm.s32 $0xBC80  }
0x120: {  	[tilespmem:s30], [sflag:$0x1] =	stream.indirect_vreg.gather [hbm4b:s12+s5], $0x80, v15, vm1, $0xb8;
	[tilespmem:$0x1AE08] =	vst v63  }
0x121: {  	s30 =	simm.s32 $0xC480  }
0x122: {  	[tilespmem:s30], [sflag:$0x1] =	stream.indirect_vreg.gather [hbm4b:s13+s5], $0x80, v15, vm1, $0xb8;
	[tilespmem:$0x1AE08] =	vst v63  }
0x123: {  	s30 =	simm.s32 $0xCC80  }
0x124: {  	[tilespmem:s30], [sflag:$0x1] =	stream.indirect_vreg.gather [hbm4b:s2+s5], $0x80, v14, vm1, $0xb8;
	[tilespmem:$0x1AE08] =	vst v63  }
0x125: {  	s30 =	simm.s32 $0xD480  }
0x126: {  	[tilespmem:s30], [sflag:$0x1] =	stream.indirect_vreg.gather [hbm4b:s11+s5], $0x80, v14, vm1, $0xb8;
	[tilespmem:$0x1AE08] =	vst v63  }
0x127: {  	s30 =	simm.s32 $0xDC80  }
0x128: {  	[tilespmem:s30], [sflag:$0x1] =	stream.indirect_vreg.gather [hbm4b:s12+s5], $0x80, v14, vm1, $0xb8;
	[tilespmem:$0x1AE08] =	vst v63  }
0x129: {  	s30 =	simm.s32 $0xE480  }
0x12a: {  	[tilespmem:s30], [sflag:$0x1] =	stream.indirect_vreg.gather [hbm4b:s13+s5], $0x80, v14, vm1, $0xb8;
	[tilespmem:$0x1AE08] =	vst v63  }
0x12b: {  	_ =	swait.ge [sflag:s31], $0xC000  }
0x12c: {  	[sflag:s31] =	ssyncset.done $0x0  }
0x12d: {  	[sflag:s31] =	ssyncadd.s32 $0xFFFF4000  }
.LBB2_11:
0x12e: {  	p3 =	sge.s32 s14, s7  }
.Ltmp7:
0x12f: {  	_ = 	snop;
	(pc) =	sbr.rel @p3 .LBB2_13-.Ltmp7, $1  }
0x130: {  	_ =	sdelay $0x3  }
0x131: {  	v14 =	vld [tilespmem:$0x2BB0];
	_ =	sdelay $0x4  }
0x132: {  	v15 =	vshll.u32 v14, $0x3  }
0x133: {  	v14 =	vand.u32 $0x7, v14;
	v15 =	vand.u32 $0xFFFFFFC0, v15  }
0x134: {  	v14 =	vor.u32 v14, v15  }
0x135: {  	v15 =	vperm.xlane v14, v11;
	_ =	sdelay $0x1  }
0x136: {  	v15 =	vadd.s32 v12, v15;
	_ =	sdelay $0x3  }
0x137: {  	s9 =	simm.s32 $0xEC80  }
0x138: {  	[tilespmem:s9], [sflag:$0x2] =	stream.indirect_vreg.gather [hbm4b:s2+s5], $0x80, v15, vm1, $0xb8;
	[tilespmem:$0x1AE08] =	vst v63  }
0x139: {  	s30 =	simm.s32 $0xF480;
	v14 =	vperm.xlane v14, v13  }
0x13a: {  	[tilespmem:s30], [sflag:$0x2] =	stream.indirect_vreg.gather [hbm4b:s11+s5], $0x80, v15, vm1, $0xb8;
	[tilespmem:$0x1AE08] =	vst v63  }
0x13b: {  	v14 =	vadd.s32 v12, v14;
	s30 =	simm.s32 $0xFC80  }
0x13c: {  	[tilespmem:s30], [sflag:$0x2] =	stream.indirect_vreg.gather [hbm4b:s12+s5], $0x80, v15, vm1, $0xb8;
	[tilespmem:$0x1AE08] =	vst v63  }
0x13d: {  	s30 =	simm.s32 $0x10480  }
0x13e: {  	[tilespmem:s30], [sflag:$0x2] =	stream.indirect_vreg.gather [hbm4b:s13+s5], $0x80, v15, vm1, $0xb8;
	[tilespmem:$0x1AE08] =	vst v63  }
0x13f: {  	s30 =	simm.s32 $0x10C80  }
0x140: {  	[tilespmem:s30], [sflag:$0x2] =	stream.indirect_vreg.gather [hbm4b:s2+s5], $0x80, v14, vm1, $0xb8;
	[tilespmem:$0x1AE08] =	vst v63  }
0x141: {  	s30 =	simm.s32 $0x11480  }
0x142: {  	[tilespmem:s30], [sflag:$0x2] =	stream.indirect_vreg.gather [hbm4b:s11+s5], $0x80, v14, vm1, $0xb8;
	[tilespmem:$0x1AE08] =	vst v63  }
0x143: {  	s30 =	simm.s32 $0x11C80  }
0x144: {  	[tilespmem:s30], [sflag:$0x2] =	stream.indirect_vreg.gather [hbm4b:s12+s5], $0x80, v14, vm1, $0xb8;
	[tilespmem:$0x1AE08] =	vst v63  }
0x145: {  	s30 =	simm.s32 $0x12480  }
0x146: {  	[tilespmem:s30], [sflag:$0x2] =	stream.indirect_vreg.gather [hbm4b:s13+s5], $0x80, v14, vm1, $0xb8;
	[tilespmem:$0x1AE08] =	vst v63  }
0x147: {  	v14 =	vld [tilespmem:$0x2BC0];
	_ =	sdelay $0x4  }
0x148: {  	v15 =	vshll.u32 v14, $0x3  }
0x149: {  	v14 =	vand.u32 $0x7, v14;
	v15 =	vand.u32 $0xFFFFFFC0, v15  }
0x14a: {  	v14 =	vor.u32 v14, v15  }
0x14b: {  	v15 =	vperm.xlane v14, v11;
	_ =	sdelay $0x1  }
0x14c: {  	v15 =	vadd.s32 v12, v15;
	_ =	sdelay $0x3  }
0x14d: {  	s30 =	simm.s32 $0x12C80  }
0x14e: {  	[tilespmem:s30], [sflag:$0x2] =	stream.indirect_vreg.gather [hbm4b:s2+s5], $0x80, v15, vm1, $0xb8;
	[tilespmem:$0x1AE08] =	vst v63  }
0x14f: {  	v14 =	vperm.xlane v14, v13;
	s30 =	simm.s32 $0x13480  }
0x150: {  	[tilespmem:s30], [sflag:$0x2] =	stream.indirect_vreg.gather [hbm4b:s11+s5], $0x80, v15, vm1, $0xb8;
	[tilespmem:$0x1AE08] =	vst v63  }
0x151: {  	v14 =	vadd.s32 v12, v14;
	s30 =	simm.s32 $0x13C80  }
0x152: {  	[tilespmem:s30], [sflag:$0x2] =	stream.indirect_vreg.gather [hbm4b:s12+s5], $0x80, v15, vm1, $0xb8;
	[tilespmem:$0x1AE08] =	vst v63  }
0x153: {  	s30 =	simm.s32 $0x14480  }
0x154: {  	[tilespmem:s30], [sflag:$0x2] =	stream.indirect_vreg.gather [hbm4b:s13+s5], $0x80, v15, vm1, $0xb8;
	[tilespmem:$0x1AE08] =	vst v63  }
0x155: {  	s30 =	simm.s32 $0x14C80  }
0x156: {  	[tilespmem:s30], [sflag:$0x2] =	stream.indirect_vreg.gather [hbm4b:s2+s5], $0x80, v14, vm1, $0xb8;
	[tilespmem:$0x1AE08] =	vst v63  }
0x157: {  	s30 =	simm.s32 $0x15480  }
0x158: {  	[tilespmem:s30], [sflag:$0x2] =	stream.indirect_vreg.gather [hbm4b:s11+s5], $0x80, v14, vm1, $0xb8;
	[tilespmem:$0x1AE08] =	vst v63  }
0x159: {  	s30 =	simm.s32 $0x15C80  }
0x15a: {  	[tilespmem:s30], [sflag:$0x2] =	stream.indirect_vreg.gather [hbm4b:s12+s5], $0x80, v14, vm1, $0xb8;
	[tilespmem:$0x1AE08] =	vst v63  }
0x15b: {  	s30 =	simm.s32 $0x16480  }
0x15c: {  	[tilespmem:s30], [sflag:$0x2] =	stream.indirect_vreg.gather [hbm4b:s13+s5], $0x80, v14, vm1, $0xb8;
	[tilespmem:$0x1AE08] =	vst v63  }
0x15d: {  	v14 =	vld [tilespmem:$0x2BD0];
	_ =	sdelay $0x4  }
0x15e: {  	v15 =	vshll.u32 v14, $0x3  }
0x15f: {  	v14 =	vand.u32 $0x7, v14;
	v15 =	vand.u32 $0xFFFFFFC0, v15  }
0x160: {  	v14 =	vor.u32 v14, v15  }
0x161: {  	v15 =	vperm.xlane v14, v11;
	_ =	sdelay $0x1  }
0x162: {  	v15 =	vadd.s32 v12, v15;
	_ =	sdelay $0x3  }
0x163: {  	s30 =	simm.s32 $0x16C80  }
0x164: {  	[tilespmem:s30], [sflag:$0x2] =	stream.indirect_vreg.gather [hbm4b:s2+s5], $0x80, v15, vm1, $0xb8;
	[tilespmem:$0x1AE08] =	vst v63  }
0x165: {  	v14 =	vperm.xlane v14, v13;
	s30 =	simm.s32 $0x17480  }
0x166: {  	[tilespmem:s30], [sflag:$0x2] =	stream.indirect_vreg.gather [hbm4b:s11+s5], $0x80, v15, vm1, $0xb8;
	[tilespmem:$0x1AE08] =	vst v63  }
0x167: {  	v14 =	vadd.s32 v12, v14;
	s30 =	simm.s32 $0x17C80  }
0x168: {  	[tilespmem:s30], [sflag:$0x2] =	stream.indirect_vreg.gather [hbm4b:s12+s5], $0x80, v15, vm1, $0xb8;
	[tilespmem:$0x1AE08] =	vst v63  }
0x169: {  	s30 =	simm.s32 $0x18480  }
0x16a: {  	[tilespmem:s30], [sflag:$0x2] =	stream.indirect_vreg.gather [hbm4b:s13+s5], $0x80, v15, vm1, $0xb8;
	[tilespmem:$0x1AE08] =	vst v63  }
0x16b: {  	s30 =	simm.s32 $0x18C80  }
0x16c: {  	[tilespmem:s30], [sflag:$0x2] =	stream.indirect_vreg.gather [hbm4b:s2+s5], $0x80, v14, vm1, $0xb8;
	[tilespmem:$0x1AE08] =	vst v63  }
0x16d: {  	s30 =	simm.s32 $0x19480  }
0x16e: {  	[tilespmem:s30], [sflag:$0x2] =	stream.indirect_vreg.gather [hbm4b:s11+s5], $0x80, v14, vm1, $0xb8;
	[tilespmem:$0x1AE08] =	vst v63  }
0x16f: {  	_ = 	snop  }
0x170: {  	[tilespmem:s1], [sflag:$0x2] =	stream.indirect_vreg.gather [hbm4b:s12+s5], $0x80, v14, vm1, $0xb8;
	[tilespmem:$0x1AE08] =	vst v63  }
0x171: {  	_ = 	snop  }
0x172: {  	[tilespmem:s3], [sflag:$0x2] =	stream.indirect_vreg.gather [hbm4b:s13+s5], $0x80, v14, vm1, $0xb8;
	[tilespmem:$0x1AE08] =	vst v63  }
.LBB2_13:
0x173: {  	s9 =	simm.s32 @!p2 $0x0;
	s30 =	simm.s32 @!p2 $0x2C80  }
0x174: {  	[hbm4b:s15+s9] =	stream.linear.scatter @!p2 [tilespmem:s30], [sflag:$0x3], $0xC000, $0x38;
	[tilespmem:$0x1AE08] =	vst v63  }
0x175: {  	s9 =	simm.s32 @!p3 $0x3  }
0x176: {  	p4 =	sge.s32 s16, s7;
	_ =	swait.ge @!p3 [sflag:s9], $0xC000  }
.Ltmp8:
0x177: {  	[sflag:s9] =	ssyncset.done @!p3 $0x0;
	(pc) =	sbr.rel @p4 .LBB2_15-.Ltmp8, $4  }
0x178: {  	[sflag:s9] =	ssyncadd.s32 @!p3 $0xFFFF4000;
	s9 =	simm.s32 @!p3 $0x2  }
0x179: {  	_ =	swait.ge @!p3 [sflag:s9], $0xC000  }
0x17a: {  	[sflag:s9] =	ssyncset.done @!p3 $0x0  }
0x17b: {  	[sflag:s9] =	ssyncadd.s32 @!p3 $0xFFFF4000  }
0x17c: {  	v14 =	vld [tilespmem:$0x2BE0];
	_ =	sdelay $0x4  }
0x17d: {  	v15 =	vshll.u32 v14, $0x3  }
0x17e: {  	v14 =	vand.u32 $0x7, v14;
	v15 =	vand.u32 $0xFFFFFFC0, v15  }
0x17f: {  	v14 =	vor.u32 v14, v15  }
0x180: {  	v15 =	vperm.xlane v14, v11;
	_ =	sdelay $0x1  }
0x181: {  	v15 =	vadd.s32 v12, v15;
	_ =	sdelay $0x3  }
0x182: {  	s9 =	simm.s32 $0x2C80  }
0x183: {  	[tilespmem:s9], [sflag:$0x1] =	stream.indirect_vreg.gather [hbm4b:s2+s5], $0x80, v15, vm1, $0xb8;
	[tilespmem:$0x1AE08] =	vst v63  }
0x184: {  	s30 =	simm.s32 $0x3480;
	v14 =	vperm.xlane v14, v13  }
0x185: {  	[tilespmem:s30], [sflag:$0x1] =	stream.indirect_vreg.gather [hbm4b:s11+s5], $0x80, v15, vm1, $0xb8;
	[tilespmem:$0x1AE08] =	vst v63  }
0x186: {  	v14 =	vadd.s32 v12, v14;
	s30 =	simm.s32 $0x3C80  }
0x187: {  	[tilespmem:s30], [sflag:$0x1] =	stream.indirect_vreg.gather [hbm4b:s12+s5], $0x80, v15, vm1, $0xb8;
	[tilespmem:$0x1AE08] =	vst v63  }
0x188: {  	s30 =	simm.s32 $0x4480  }
0x189: {  	[tilespmem:s30], [sflag:$0x1] =	stream.indirect_vreg.gather [hbm4b:s13+s5], $0x80, v15, vm1, $0xb8;
	[tilespmem:$0x1AE08] =	vst v63  }
0x18a: {  	s30 =	simm.s32 $0x4C80  }
0x18b: {  	[tilespmem:s30], [sflag:$0x1] =	stream.indirect_vreg.gather [hbm4b:s2+s5], $0x80, v14, vm1, $0xb8;
	[tilespmem:$0x1AE08] =	vst v63  }
0x18c: {  	s30 =	simm.s32 $0x5480  }
0x18d: {  	[tilespmem:s30], [sflag:$0x1] =	stream.indirect_vreg.gather [hbm4b:s11+s5], $0x80, v14, vm1, $0xb8;
	[tilespmem:$0x1AE08] =	vst v63  }
0x18e: {  	s30 =	simm.s32 $0x5C80  }
0x18f: {  	[tilespmem:s30], [sflag:$0x1] =	stream.indirect_vreg.gather [hbm4b:s12+s5], $0x80, v14, vm1, $0xb8;
	[tilespmem:$0x1AE08] =	vst v63  }
0x190: {  	s30 =	simm.s32 $0x6480  }
0x191: {  	[tilespmem:s30], [sflag:$0x1] =	stream.indirect_vreg.gather [hbm4b:s13+s5], $0x80, v14, vm1, $0xb8;
	[tilespmem:$0x1AE08] =	vst v63  }
0x192: {  	v14 =	vld [tilespmem:$0x2BF0];
	_ =	sdelay $0x4  }
0x193: {  	v15 =	vshll.u32 v14, $0x3  }
0x194: {  	v14 =	vand.u32 $0x7, v14;
	v15 =	vand.u32 $0xFFFFFFC0, v15  }
0x195: {  	v14 =	vor.u32 v14, v15  }
0x196: {  	v15 =	vperm.xlane v14, v11;
	_ =	sdelay $0x1  }
0x197: {  	v15 =	vadd.s32 v12, v15;
	_ =	sdelay $0x3  }
0x198: {  	s30 =	simm.s32 $0x6C80  }
0x199: {  	[tilespmem:s30], [sflag:$0x1] =	stream.indirect_vreg.gather [hbm4b:s2+s5], $0x80, v15, vm1, $0xb8;
	[tilespmem:$0x1AE08] =	vst v63  }
0x19a: {  	v14 =	vperm.xlane v14, v13;
	s30 =	simm.s32 $0x7480  }
0x19b: {  	[tilespmem:s30], [sflag:$0x1] =	stream.indirect_vreg.gather [hbm4b:s11+s5], $0x80, v15, vm1, $0xb8;
	[tilespmem:$0x1AE08] =	vst v63  }
0x19c: {  	v14 =	vadd.s32 v12, v14;
	s30 =	simm.s32 $0x7C80  }
0x19d: {  	[tilespmem:s30], [sflag:$0x1] =	stream.indirect_vreg.gather [hbm4b:s12+s5], $0x80, v15, vm1, $0xb8;
	[tilespmem:$0x1AE08] =	vst v63  }
0x19e: {  	s30 =	simm.s32 $0x8480  }
0x19f: {  	[tilespmem:s30], [sflag:$0x1] =	stream.indirect_vreg.gather [hbm4b:s13+s5], $0x80, v15, vm1, $0xb8;
	[tilespmem:$0x1AE08] =	vst v63  }
0x1a0: {  	s30 =	simm.s32 $0x8C80  }
0x1a1: {  	[tilespmem:s30], [sflag:$0x1] =	stream.indirect_vreg.gather [hbm4b:s2+s5], $0x80, v14, vm1, $0xb8;
	[tilespmem:$0x1AE08] =	vst v63  }
0x1a2: {  	s30 =	simm.s32 $0x9480  }
0x1a3: {  	[tilespmem:s30], [sflag:$0x1] =	stream.indirect_vreg.gather [hbm4b:s11+s5], $0x80, v14, vm1, $0xb8;
	[tilespmem:$0x1AE08] =	vst v63  }
0x1a4: {  	s30 =	simm.s32 $0x9C80  }
0x1a5: {  	[tilespmem:s30], [sflag:$0x1] =	stream.indirect_vreg.gather [hbm4b:s12+s5], $0x80, v14, vm1, $0xb8;
	[tilespmem:$0x1AE08] =	vst v63  }
0x1a6: {  	s30 =	simm.s32 $0xA480  }
0x1a7: {  	[tilespmem:s30], [sflag:$0x1] =	stream.indirect_vreg.gather [hbm4b:s13+s5], $0x80, v14, vm1, $0xb8;
	[tilespmem:$0x1AE08] =	vst v63  }
0x1a8: {  	v14 =	vld [tilespmem:$0x2C00];
	_ =	sdelay $0x4  }
0x1a9: {  	v15 =	vshll.u32 v14, $0x3  }
0x1aa: {  	v14 =	vand.u32 $0x7, v14;
	v15 =	vand.u32 $0xFFFFFFC0, v15  }
0x1ab: {  	v14 =	vor.u32 v14, v15  }
0x1ac: {  	v15 =	vperm.xlane v14, v11;
	_ =	sdelay $0x1  }
0x1ad: {  	v15 =	vadd.s32 v12, v15;
	_ =	sdelay $0x3  }
0x1ae: {  	s30 =	simm.s32 $0xAC80  }
0x1af: {  	[tilespmem:s30], [sflag:$0x1] =	stream.indirect_vreg.gather [hbm4b:s2+s5], $0x80, v15, vm1, $0xb8;
	[tilespmem:$0x1AE08] =	vst v63  }
0x1b0: {  	v14 =	vperm.xlane v14, v13;
	s30 =	simm.s32 $0xB480  }
0x1b1: {  	[tilespmem:s30], [sflag:$0x1] =	stream.indirect_vreg.gather [hbm4b:s11+s5], $0x80, v15, vm1, $0xb8;
	[tilespmem:$0x1AE08] =	vst v63  }
0x1b2: {  	v14 =	vadd.s32 v12, v14;
	s30 =	simm.s32 $0xBC80  }
0x1b3: {  	[tilespmem:s30], [sflag:$0x1] =	stream.indirect_vreg.gather [hbm4b:s12+s5], $0x80, v15, vm1, $0xb8;
	[tilespmem:$0x1AE08] =	vst v63  }
0x1b4: {  	s30 =	simm.s32 $0xC480  }
0x1b5: {  	[tilespmem:s30], [sflag:$0x1] =	stream.indirect_vreg.gather [hbm4b:s13+s5], $0x80, v15, vm1, $0xb8;
	[tilespmem:$0x1AE08] =	vst v63  }
0x1b6: {  	s30 =	simm.s32 $0xCC80  }
0x1b7: {  	[tilespmem:s30], [sflag:$0x1] =	stream.indirect_vreg.gather [hbm4b:s2+s5], $0x80, v14, vm1, $0xb8;
	[tilespmem:$0x1AE08] =	vst v63  }
0x1b8: {  	s30 =	simm.s32 $0xD480  }
0x1b9: {  	[tilespmem:s30], [sflag:$0x1] =	stream.indirect_vreg.gather [hbm4b:s11+s5], $0x80, v14, vm1, $0xb8;
	[tilespmem:$0x1AE08] =	vst v63  }
0x1ba: {  	s30 =	simm.s32 $0xDC80  }
0x1bb: {  	[tilespmem:s30], [sflag:$0x1] =	stream.indirect_vreg.gather [hbm4b:s12+s5], $0x80, v14, vm1, $0xb8;
	[tilespmem:$0x1AE08] =	vst v63  }
0x1bc: {  	s30 =	simm.s32 $0xE480  }
0x1bd: {  	[tilespmem:s30], [sflag:$0x1] =	stream.indirect_vreg.gather [hbm4b:s13+s5], $0x80, v14, vm1, $0xb8;
	[tilespmem:$0x1AE08] =	vst v63  }
.LBB2_15:
0x1be: {  	s9 =	simm.s32 @!p3 $0x0;
	s30 =	simm.s32 @!p3 $0xEC80  }
0x1bf: {  	[hbm4b:s18+s9] =	stream.linear.scatter @!p3 [tilespmem:s30], [sflag:$0x4], $0xC000, $0x38;
	[tilespmem:$0x1AE08] =	vst v63  }
0x1c0: {  	s9 =	simm.s32 @!p4 $0x4  }
0x1c1: {  	p5 =	sge.s32 s17, s7;
	_ =	swait.ge @!p4 [sflag:s9], $0xC000  }
.Ltmp9:
0x1c2: {  	[sflag:s9] =	ssyncset.done @!p4 $0x0;
	(pc) =	sbr.rel @p5 .LBB2_17-.Ltmp9, $4  }
0x1c3: {  	[sflag:s9] =	ssyncadd.s32 @!p4 $0xFFFF4000;
	s9 =	simm.s32 @!p4 $0x1  }
0x1c4: {  	_ =	swait.ge @!p4 [sflag:s9], $0xC000  }
0x1c5: {  	[sflag:s9] =	ssyncset.done @!p4 $0x0  }
0x1c6: {  	[sflag:s9] =	ssyncadd.s32 @!p4 $0xFFFF4000  }
0x1c7: {  	v14 =	vld [tilespmem:$0x2C10];
	_ =	sdelay $0x4  }
0x1c8: {  	v15 =	vshll.u32 v14, $0x3  }
0x1c9: {  	v14 =	vand.u32 $0x7, v14;
	v15 =	vand.u32 $0xFFFFFFC0, v15  }
0x1ca: {  	v14 =	vor.u32 v14, v15  }
0x1cb: {  	v15 =	vperm.xlane v14, v11;
	_ =	sdelay $0x1  }
0x1cc: {  	v15 =	vadd.s32 v12, v15;
	_ =	sdelay $0x3  }
0x1cd: {  	s9 =	simm.s32 $0xEC80  }
0x1ce: {  	[tilespmem:s9], [sflag:$0x2] =	stream.indirect_vreg.gather [hbm4b:s2+s5], $0x80, v15, vm1, $0xb8;
	[tilespmem:$0x1AE08] =	vst v63  }
0x1cf: {  	s30 =	simm.s32 $0xF480;
	v14 =	vperm.xlane v14, v13  }
0x1d0: {  	[tilespmem:s30], [sflag:$0x2] =	stream.indirect_vreg.gather [hbm4b:s11+s5], $0x80, v15, vm1, $0xb8;
	[tilespmem:$0x1AE08] =	vst v63  }
0x1d1: {  	v14 =	vadd.s32 v12, v14;
	s30 =	simm.s32 $0xFC80  }
0x1d2: {  	[tilespmem:s30], [sflag:$0x2] =	stream.indirect_vreg.gather [hbm4b:s12+s5], $0x80, v15, vm1, $0xb8;
	[tilespmem:$0x1AE08] =	vst v63  }
0x1d3: {  	s30 =	simm.s32 $0x10480  }
0x1d4: {  	[tilespmem:s30], [sflag:$0x2] =	stream.indirect_vreg.gather [hbm4b:s13+s5], $0x80, v15, vm1, $0xb8;
	[tilespmem:$0x1AE08] =	vst v63  }
0x1d5: {  	s30 =	simm.s32 $0x10C80  }
0x1d6: {  	[tilespmem:s30], [sflag:$0x2] =	stream.indirect_vreg.gather [hbm4b:s2+s5], $0x80, v14, vm1, $0xb8;
	[tilespmem:$0x1AE08] =	vst v63  }
0x1d7: {  	s30 =	simm.s32 $0x11480  }
0x1d8: {  	[tilespmem:s30], [sflag:$0x2] =	stream.indirect_vreg.gather [hbm4b:s11+s5], $0x80, v14, vm1, $0xb8;
	[tilespmem:$0x1AE08] =	vst v63  }
0x1d9: {  	s30 =	simm.s32 $0x11C80  }
0x1da: {  	[tilespmem:s30], [sflag:$0x2] =	stream.indirect_vreg.gather [hbm4b:s12+s5], $0x80, v14, vm1, $0xb8;
	[tilespmem:$0x1AE08] =	vst v63  }
0x1db: {  	s30 =	simm.s32 $0x12480  }
0x1dc: {  	[tilespmem:s30], [sflag:$0x2] =	stream.indirect_vreg.gather [hbm4b:s13+s5], $0x80, v14, vm1, $0xb8;
	[tilespmem:$0x1AE08] =	vst v63  }
0x1dd: {  	v14 =	vld [tilespmem:$0x2C20];
	_ =	sdelay $0x4  }
0x1de: {  	v15 =	vshll.u32 v14, $0x3  }
0x1df: {  	v14 =	vand.u32 $0x7, v14;
	v15 =	vand.u32 $0xFFFFFFC0, v15  }
0x1e0: {  	v14 =	vor.u32 v14, v15  }
0x1e1: {  	v15 =	vperm.xlane v14, v11;
	_ =	sdelay $0x1  }
0x1e2: {  	v15 =	vadd.s32 v12, v15;
	_ =	sdelay $0x3  }
0x1e3: {  	s30 =	simm.s32 $0x12C80  }
0x1e4: {  	[tilespmem:s30], [sflag:$0x2] =	stream.indirect_vreg.gather [hbm4b:s2+s5], $0x80, v15, vm1, $0xb8;
	[tilespmem:$0x1AE08] =	vst v63  }
0x1e5: {  	v14 =	vperm.xlane v14, v13;
	s30 =	simm.s32 $0x13480  }
0x1e6: {  	[tilespmem:s30], [sflag:$0x2] =	stream.indirect_vreg.gather [hbm4b:s11+s5], $0x80, v15, vm1, $0xb8;
	[tilespmem:$0x1AE08] =	vst v63  }
0x1e7: {  	v14 =	vadd.s32 v12, v14;
	s30 =	simm.s32 $0x13C80  }
0x1e8: {  	[tilespmem:s30], [sflag:$0x2] =	stream.indirect_vreg.gather [hbm4b:s12+s5], $0x80, v15, vm1, $0xb8;
	[tilespmem:$0x1AE08] =	vst v63  }
0x1e9: {  	s30 =	simm.s32 $0x14480  }
0x1ea: {  	[tilespmem:s30], [sflag:$0x2] =	stream.indirect_vreg.gather [hbm4b:s13+s5], $0x80, v15, vm1, $0xb8;
	[tilespmem:$0x1AE08] =	vst v63  }
0x1eb: {  	s30 =	simm.s32 $0x14C80  }
0x1ec: {  	[tilespmem:s30], [sflag:$0x2] =	stream.indirect_vreg.gather [hbm4b:s2+s5], $0x80, v14, vm1, $0xb8;
	[tilespmem:$0x1AE08] =	vst v63  }
0x1ed: {  	s30 =	simm.s32 $0x15480  }
0x1ee: {  	[tilespmem:s30], [sflag:$0x2] =	stream.indirect_vreg.gather [hbm4b:s11+s5], $0x80, v14, vm1, $0xb8;
	[tilespmem:$0x1AE08] =	vst v63  }
0x1ef: {  	s30 =	simm.s32 $0x15C80  }
0x1f0: {  	[tilespmem:s30], [sflag:$0x2] =	stream.indirect_vreg.gather [hbm4b:s12+s5], $0x80, v14, vm1, $0xb8;
	[tilespmem:$0x1AE08] =	vst v63  }
0x1f1: {  	s30 =	simm.s32 $0x16480  }
0x1f2: {  	[tilespmem:s30], [sflag:$0x2] =	stream.indirect_vreg.gather [hbm4b:s13+s5], $0x80, v14, vm1, $0xb8;
	[tilespmem:$0x1AE08] =	vst v63  }
0x1f3: {  	v14 =	vld [tilespmem:$0x2C30];
	_ =	sdelay $0x4  }
0x1f4: {  	v15 =	vshll.u32 v14, $0x3  }
0x1f5: {  	v14 =	vand.u32 $0x7, v14;
	v15 =	vand.u32 $0xFFFFFFC0, v15  }
0x1f6: {  	v14 =	vor.u32 v14, v15  }
0x1f7: {  	v15 =	vperm.xlane v14, v11;
	_ =	sdelay $0x1  }
0x1f8: {  	v15 =	vadd.s32 v12, v15;
	_ =	sdelay $0x3  }
0x1f9: {  	s30 =	simm.s32 $0x16C80  }
0x1fa: {  	[tilespmem:s30], [sflag:$0x2] =	stream.indirect_vreg.gather [hbm4b:s2+s5], $0x80, v15, vm1, $0xb8;
	[tilespmem:$0x1AE08] =	vst v63  }
0x1fb: {  	v14 =	vperm.xlane v14, v13;
	s30 =	simm.s32 $0x17480  }
0x1fc: {  	[tilespmem:s30], [sflag:$0x2] =	stream.indirect_vreg.gather [hbm4b:s11+s5], $0x80, v15, vm1, $0xb8;
	[tilespmem:$0x1AE08] =	vst v63  }
0x1fd: {  	v14 =	vadd.s32 v12, v14;
	s30 =	simm.s32 $0x17C80  }
0x1fe: {  	[tilespmem:s30], [sflag:$0x2] =	stream.indirect_vreg.gather [hbm4b:s12+s5], $0x80, v15, vm1, $0xb8;
	[tilespmem:$0x1AE08] =	vst v63  }
0x1ff: {  	s30 =	simm.s32 $0x18480  }
0x200: {  	[tilespmem:s30], [sflag:$0x2] =	stream.indirect_vreg.gather [hbm4b:s13+s5], $0x80, v15, vm1, $0xb8;
	[tilespmem:$0x1AE08] =	vst v63  }
0x201: {  	s30 =	simm.s32 $0x18C80  }
0x202: {  	[tilespmem:s30], [sflag:$0x2] =	stream.indirect_vreg.gather [hbm4b:s2+s5], $0x80, v14, vm1, $0xb8;
	[tilespmem:$0x1AE08] =	vst v63  }
0x203: {  	s30 =	simm.s32 $0x19480  }
0x204: {  	[tilespmem:s30], [sflag:$0x2] =	stream.indirect_vreg.gather [hbm4b:s11+s5], $0x80, v14, vm1, $0xb8;
	[tilespmem:$0x1AE08] =	vst v63  }
.Ltmp10:
0x205: {  	_ = 	snop;
	(pc) =	sbr.rel .LBB2_17-.Ltmp10, $4  }
0x206: {  	_ = 	snop  }
0x207: {  	[tilespmem:s1], [sflag:$0x2] =	stream.indirect_vreg.gather [hbm4b:s12+s5], $0x80, v14, vm1, $0xb8;
	[tilespmem:$0x1AE08] =	vst v63  }
0x208: {  	_ = 	snop  }
0x209: {  	[tilespmem:s3], [sflag:$0x2] =	stream.indirect_vreg.gather [hbm4b:s13+s5], $0x80, v14, vm1, $0xb8;
	[tilespmem:$0x1AE08] =	vst v63  }
.LBB2_18:
0x20a: {  	_ =	sfence.sel $0x180000  }
0x20b: {  	[bflag:$0x0] =	sbarrier.arrive $0xFFFF  }
0x20c: {  	_ =	strace $0x90000047  }
0x20d: {  	[bflag:$0x2] =	sbarrier.arrive $0xFFFF  }
0x20e: {  	s0 =	rddreg [dreg:$0x5]  }
0x20f: {  	s0 =	sadd.s32 @!p0 $0x100000, s0  }
0x210: {  	[sflag:s0] =	ssyncadd.tile.s32 @!p0 $0x1;
	_ =	shalt  }
.Lfunc_end2:
_tile_overlayer_lowered:
.L_overlay_start_2:
0x211: {  	(tag) =	ssettag $0x2  }
0x212: {  	s0 =	rddreg [dreg:$0x0];
	s2 =	stileid.u32  }
0x213: {  	s1 =	rddreg [dreg:$0x1];
	p0 =	sne.s32 s2, $0x0  }
0x214: {  	s3 =	rddreg [dreg:$0x2];
	[bflag:$0x3] =	sbarrier.arrive $0xFFFF;
	s2 =	simm.s32 @!p0 $0x1C05  }
0x215: {  	[timem:s3], [sflag:s2] =	dma.local @!p0 [hbm:s0], s1  }
0x216: {  	s0 =	simm.s32 @!p0 $0x5  }
0x217: {  	_ =	swait.ge @!p0 [sflag:s0], s1  }
0x218: {  	s1 =	ssub.s32 @!p0 $0x0, s1;
	[sflag:s0] =	ssyncset.done @!p0 $0x0  }
0x219: {  	[sflag:s0] =	ssyncadd.s32 @!p0 s1  }
0x21a: {  	[bflag:$0x3] =	sbarrier.arrive $0xFFFF  }
0x21b: {  	_ =	shalt  }

</sc_bundles>
